<compile_context>
chip_gen: v7x
topology: tpu7x:2x2x1
jax: 0.10.2.dev20260603
libtpu: 0.0.44.dev20260713+nightly
codegen_flags: <defaults>
</compile_context>

<pallas_src>
import functools

import jax
import jax.numpy as jnp
from jax import lax
from jax.experimental import pallas as pl
from jax.experimental.pallas import tpu as pltpu
from jax.experimental.pallas import tpu_sc as plsc

NCORES = 2
NSUB = 16
NW = NCORES * NSUB
CH = 128


def _sc_acc(x, src1, dst1, n, d, cpt, spad):
    zpt = spad // NSUB
    nz_full = zpt // CH
    zrem = zpt - nz_full * CH

    mesh = plsc.VectorSubcoreMesh(core_axis_name="c", subcore_axis_name="s")

    @functools.partial(
        pl.kernel,
        out_type=jax.ShapeDtypeStruct((NCORES, spad, d), jnp.float32),
        mesh=mesh,
        scratch_types=[
            pltpu.VMEM((CH,), jnp.int32),
            pltpu.VMEM((CH,), jnp.int32),
            pltpu.VMEM((CH, d), jnp.float32),
            pltpu.VMEM_SHARED((spad, d), jnp.float32),
            pltpu.SemaphoreType.DMA,
        ],
    )
    def k(x_hbm, src_hbm, dst_hbm, acc_out,
          src_v, dst_v, rows_v, acc_sh, sem):
        cid = lax.axis_index("c")
        sid = lax.axis_index("s")
        wid = cid * NSUB + sid

        def fill(i, carry):
            for cc in range(d // 16):
                rows_v[i, pl.ds(cc * 16, 16)] = jnp.zeros((16,), jnp.float32)
            return carry
        lax.fori_loop(0, CH, fill, 0)

        zbase = sid * zpt
        for kk in range(nz_full):
            pltpu.sync_copy(rows_v, acc_sh.at[pl.ds(zbase + kk * CH, CH)])
        if zrem:
            pltpu.sync_copy(rows_v.at[pl.ds(0, zrem)],
                            acc_sh.at[pl.ds(zbase + nz_full * CH, zrem)])
        plsc.subcore_barrier()

        tbase = wid * (cpt * CH)
        def chunk(j, carry):
            pltpu.sync_copy(src_hbm.at[pl.ds(tbase + j * CH, CH)], src_v)
            pltpu.sync_copy(dst_hbm.at[pl.ds(tbase + j * CH, CH)], dst_v)
            pltpu.async_copy(x_hbm.at[src_v], rows_v, sem).wait()
            pltpu.sync_copy(rows_v, acc_sh.at[dst_v], add=True)
            return carry
        lax.fori_loop(0, cpt, chunk, 0)
        plsc.subcore_barrier()

        pltpu.sync_copy(acc_sh.at[pl.ds(zbase, zpt)],
                        acc_out.at[cid, pl.ds(zbase, zpt)])

    return k(x, src1, dst1)


def _sc_deg(dst1, n, d, cpt, spad):
    zpt = spad // NSUB
    nz_full = zpt // CH
    zrem = zpt - nz_full * CH

    mesh = plsc.VectorSubcoreMesh(core_axis_name="c", subcore_axis_name="s")

    @functools.partial(
        pl.kernel,
        out_type=jax.ShapeDtypeStruct((NCORES, spad, d), jnp.float32),
        mesh=mesh,
        scratch_types=[
            pltpu.VMEM((CH,), jnp.int32),
            pltpu.VMEM((CH, d), jnp.float32),
            pltpu.VMEM_SHARED((spad, d), jnp.float32),
        ],
    )
    def k(dst_hbm, deg_out, dst_v, ones_v, deg_sh):
        cid = lax.axis_index("c")
        sid = lax.axis_index("s")
        wid = cid * NSUB + sid

        def fill(i, carry):
            for cc in range(d // 16):
                ones_v[i, pl.ds(cc * 16, 16)] = jnp.zeros((16,), jnp.float32)
            return carry
        lax.fori_loop(0, CH, fill, 0)

        zbase = sid * zpt
        for kk in range(nz_full):
            pltpu.sync_copy(ones_v, deg_sh.at[pl.ds(zbase + kk * CH, CH)])
        if zrem:
            pltpu.sync_copy(ones_v.at[pl.ds(0, zrem)],
                            deg_sh.at[pl.ds(zbase + nz_full * CH, zrem)])

        def fill1(i, carry):
            ones_v[i, pl.ds(0, 16)] = jnp.ones((16,), jnp.float32)
            return carry
        lax.fori_loop(0, CH, fill1, 0)
        plsc.subcore_barrier()

        tbase = wid * (cpt * CH)
        def chunk(j, carry):
            pltpu.sync_copy(dst_hbm.at[pl.ds(tbase + j * CH, CH)], dst_v)
            pltpu.sync_copy(ones_v, deg_sh.at[dst_v], add=True)
            return carry
        lax.fori_loop(0, cpt, chunk, 0)
        plsc.subcore_barrier()

        pltpu.sync_copy(deg_sh.at[pl.ds(zbase, zpt)],
                        deg_out.at[cid, pl.ds(zbase, zpt)])

    return k(dst1)


def _combine(acc, deg, x, w_self, w_nbr, b2, n, d):
    r = 1000 if n % 1000 == 0 else n

    def body(acc_ref, deg_ref, x_ref, ws_ref, wn_ref, b_ref, o_ref):
        a = acc_ref[0] + acc_ref[1]
        dg = deg_ref[0, :, 0] + deg_ref[1, :, 0]
        dg = jnp.maximum(dg, 1.0)
        a = a / dg[:, None]
        agg = jnp.dot(a, wn_ref[...], preferred_element_type=jnp.float32)
        self_t = jnp.dot(x_ref[...], ws_ref[...], preferred_element_type=jnp.float32)
        o_ref[...] = jnp.maximum(agg + self_t + b_ref[...], 0.0)

    return pl.pallas_call(
        body,
        grid=(n // r,),
        in_specs=[
            pl.BlockSpec((2, r, d), lambda i: (0, i, 0)),
            pl.BlockSpec((2, r, d), lambda i: (0, i, 0)),
            pl.BlockSpec((r, d), lambda i: (i, 0)),
            pl.BlockSpec((d, d), lambda i: (0, 0)),
            pl.BlockSpec((d, d), lambda i: (0, 0)),
            pl.BlockSpec((1, d), lambda i: (0, 0)),
        ],
        out_specs=pl.BlockSpec((r, d), lambda i: (i, 0)),
        out_shape=jax.ShapeDtypeStruct((n, d), jnp.float32),
    )(acc, deg, x, w_self, w_nbr, b2)


def kernel(x, edge_index, W_self, W_nbr, b):
    n, d = x.shape
    e = edge_index.shape[1]
    cpt = -(-e // (NW * CH))
    epad = NW * CH * cpt
    spad = -(-(n + 1) // (NSUB * 8)) * (NSUB * 8)
    src = edge_index[0]
    dst = edge_index[1]
    if epad != e:
        pad = epad - e
        src = jnp.concatenate([src, jnp.zeros((pad,), jnp.int32)])
        dst = jnp.concatenate([dst, jnp.full((pad,), n, jnp.int32)])
    acc = _sc_acc(x, src, dst, n, d, cpt, spad)
    deg = _sc_deg(dst, n, d, cpt, spad)
    return _combine(acc, deg, x, W_self, W_nbr, b.reshape(1, d), n, d)

# --- scband reference (transcript-rebuilt; emitter-appended) ---
"""Pipeline reference for scband-amb3-rstage2-v2-75737453298217 (READ-ONLY COPY).

The authoritative reference and input builder live on the scoring server;
editing this copy changes nothing except your own understanding.
"""

import jax, jax.numpy as jnp
import numpy as np

N = 10000   # n_nodes
E = 320000  # n_edges (avg_degree=32)
D = 128     # d_feat


def setup_inputs(seed: int = 0) -> dict:
    key = jax.random.key(seed)
    k1, k2, k3, k4 = jax.random.split(key, 4)
    x = jax.random.normal(k1, (N, D), dtype=jnp.float32)
    edge_index = jax.random.randint(k2, (2, E), 0, N, dtype=jnp.int32)
    # learned parameters of the message-passing aggregation layer (the PTv3
    # BackEnd's k-neighbor aggregation core, k_neighbors=16 style gather/scatter)
    W_self = jax.random.normal(k3, (D, D), dtype=jnp.float32) * 0.02
    W_nbr = jax.random.normal(k4, (D, D), dtype=jnp.float32) * 0.02
    b = jnp.zeros((D,), dtype=jnp.float32)
    return {"x": x, "edge_index": edge_index, "W_self": W_self, "W_nbr": W_nbr, "b": b}


def reference(x, edge_index, W_self, W_nbr, b):
    # Core memory-bound message passing: gather neighbor features along src,
    # transform, scatter-add (mean) into dst nodes, combine with self transform.
    src = edge_index[0]
    dst = edge_index[1]
    msgs = jnp.take(x, src, axis=0) @ W_nbr                     # gather + matmul
    agg = jax.ops.segment_sum(msgs, dst, num_segments=N)        # scatter-add
    deg = jax.ops.segment_sum(jnp.ones((E,), dtype=x.dtype), dst, num_segments=N)
    agg = agg / jnp.maximum(deg, 1.0)[:, None]                  # mean aggregation
    out = jax.nn.relu(agg + x @ W_self + b)
    return out

if __name__ == "__main__":
    import jax
    _d = setup_inputs()
    print(jax.jit(kernel)(*tuple(_d.values())))

</pallas_src>

<mosaic_0001>
#map = affine_map<(d0, d1) -> (0)>
#map1 = affine_map<(d0, d1) -> (0, 0, 0)>
module attributes {stable_mosaic.version = 14 : i64} {
  func.func @k(%arg0: i32, %arg1: i32, %arg2: memref<323584xi32, #tpu.memory_space<hbm>>, %arg3: memref<2x10112x128xf32, #tpu.memory_space<hbm>>, %arg4: memref<128xi32, #tpu.memory_space<vmem>>, %arg5: memref<128x128xf32, #tpu.memory_space<vmem>>, %arg6: memref<10112x128xf32, #tpu.memory_space<vmem_shared>>) attributes {dimension_semantics = [#tpu.dimension_semantics<core_parallel>, #tpu.dimension_semantics<subcore_parallel>], iteration_bounds = array<i64: 2, 16>, scalar_prefetch = 0 : i64, scratch_operands = 3 : i64, tpu.core_type = #tpu.core_type<sc_vector_subcore>, window_params = [{transform_indices = #map}, {transform_indices = #map1}]} {
    %mul3A = arith.constant 16 : i32
    %mul3A_0 = arith.muli %arg0, %mul3A : i32
    %add3A = arith.addi %mul3A_0, %arg1 : i32
    %scan3A = arith.constant 0 : i32
    %scan3A_1 = arith.constant 0 : i32
    %scan3A_2 = arith.constant 128 : i32
    %scan3A_3 = arith.addi %scan3A_1, %scan3A_2 : i32
    %scan3A_4 = arith.constant 1 : i32
    scf.for %scan3A_33 = %scan3A_1 to %scan3A_3 step %scan3A_4  : i32 {
      %broadcast_in_dim3A = arith.constant 0.000000e+00 : f32
      %broadcast_in_dim3A_34 = vector.broadcast %broadcast_in_dim3A : f32 to vector<16xf32>
      %swap3A = arith.index_cast %scan3A_33 : i32 to index
      %swap3A_35 = arith.constant 0 : index
      %swap3A_36 = tpu.vector_load %arg5[%swap3A, %swap3A_35] {strides = array<i32>} : memref<128x128xf32, #tpu.memory_space<vmem>>, vector<1x16xf32>,
      %swap3A_37 = vector.shape_cast %swap3A_36 : vector<1x16xf32> to vector<16xf32>
      %swap3A_38 = vector.shape_cast %broadcast_in_dim3A_34 : vector<16xf32> to vector<1x16xf32>
      tpu.vector_store %arg5[%swap3A, %swap3A_35], %swap3A_38 {strides = array<i32>} : memref<128x128xf32, #tpu.memory_space<vmem>>, vector<1x16xf32>,
      %broadcast_in_dim3A_39 = arith.constant 0.000000e+00 : f32
      %broadcast_in_dim3A_40 = vector.broadcast %broadcast_in_dim3A_39 : f32 to vector<16xf32>
      %swap3A_41 = arith.index_cast %scan3A_33 : i32 to index
      %swap3A_42 = arith.constant 16 : index
      %swap3A_43 = tpu.vector_load %arg5[%swap3A_41, %swap3A_42] {strides = array<i32>} : memref<128x128xf32, #tpu.memory_space<vmem>>, vector<1x16xf32>,
      %swap3A_44 = vector.shape_cast %swap3A_43 : vector<1x16xf32> to vector<16xf32>
      %swap3A_45 = vector.shape_cast %broadcast_in_dim3A_40 : vector<16xf32> to vector<1x16xf32>
      tpu.vector_store %arg5[%swap3A_41, %swap3A_42], %swap3A_45 {strides = array<i32>} : memref<128x128xf32, #tpu.memory_space<vmem>>, vector<1x16xf32>,
      %broadcast_in_dim3A_46 = arith.constant 0.000000e+00 : f32
      %broadcast_in_dim3A_47 = vector.broadcast %broadcast_in_dim3A_46 : f32 to vector<16xf32>
      %swap3A_48 = arith.index_cast %scan3A_33 : i32 to index
      %swap3A_49 = arith.constant 32 : index
      %swap3A_50 = tpu.vector_load %arg5[%swap3A_48, %swap3A_49] {strides = array<i32>} : memref<128x128xf32, #tpu.memory_space<vmem>>, vector<1x16xf32>,
      %swap3A_51 = vector.shape_cast %swap3A_50 : vector<1x16xf32> to vector<16xf32>
      %swap3A_52 = vector.shape_cast %broadcast_in_dim3A_47 : vector<16xf32> to vector<1x16xf32>
      tpu.vector_store %arg5[%swap3A_48, %swap3A_49], %swap3A_52 {strides = array<i32>} : memref<128x128xf32, #tpu.memory_space<vmem>>, vector<1x16xf32>,
      %broadcast_in_dim3A_53 = arith.constant 0.000000e+00 : f32
      %broadcast_in_dim3A_54 = vector.broadcast %broadcast_in_dim3A_53 : f32 to vector<16xf32>
      %swap3A_55 = arith.index_cast %scan3A_33 : i32 to index
      %swap3A_56 = arith.constant 48 : index
      %swap3A_57 = tpu.vector_load %arg5[%swap3A_55, %swap3A_56] {strides = array<i32>} : memref<128x128xf32, #tpu.memory_space<vmem>>, vector<1x16xf32>,
      %swap3A_58 = vector.shape_cast %swap3A_57 : vector<1x16xf32> to vector<16xf32>
      %swap3A_59 = vector.shape_cast %broadcast_in_dim3A_54 : vector<16xf32> to vector<1x16xf32>
      tpu.vector_store %arg5[%swap3A_55, %swap3A_56], %swap3A_59 {strides = array<i32>} : memref<128x128xf32, #tpu.memory_space<vmem>>, vector<1x16xf32>,
      %broadcast_in_dim3A_60 = arith.constant 0.000000e+00 : f32
      %broadcast_in_dim3A_61 = vector.broadcast %broadcast_in_dim3A_60 : f32 to vector<16xf32>
      %swap3A_62 = arith.index_cast %scan3A_33 : i32 to index
      %swap3A_63 = arith.constant 64 : index
      %swap3A_64 = tpu.vector_load %arg5[%swap3A_62, %swap3A_63] {strides = array<i32>} : memref<128x128xf32, #tpu.memory_space<vmem>>, vector<1x16xf32>,
      %swap3A_65 = vector.shape_cast %swap3A_64 : vector<1x16xf32> to vector<16xf32>
      %swap3A_66 = vector.shape_cast %broadcast_in_dim3A_61 : vector<16xf32> to vector<1x16xf32>
      tpu.vector_store %arg5[%swap3A_62, %swap3A_63], %swap3A_66 {strides = array<i32>} : memref<128x128xf32, #tpu.memory_space<vmem>>, vector<1x16xf32>,
      %broadcast_in_dim3A_67 = arith.constant 0.000000e+00 : f32
      %broadcast_in_dim3A_68 = vector.broadcast %broadcast_in_dim3A_67 : f32 to vector<16xf32>
      %swap3A_69 = arith.index_cast %scan3A_33 : i32 to index
      %swap3A_70 = arith.constant 80 : index
      %swap3A_71 = tpu.vector_load %arg5[%swap3A_69, %swap3A_70] {strides = array<i32>} : memref<128x128xf32, #tpu.memory_space<vmem>>, vector<1x16xf32>,
      %swap3A_72 = vector.shape_cast %swap3A_71 : vector<1x16xf32> to vector<16xf32>
      %swap3A_73 = vector.shape_cast %broadcast_in_dim3A_68 : vector<16xf32> to vector<1x16xf32>
      tpu.vector_store %arg5[%swap3A_69, %swap3A_70], %swap3A_73 {strides = array<i32>} : memref<128x128xf32, #tpu.memory_space<vmem>>, vector<1x16xf32>,
      %broadcast_in_dim3A_74 = arith.constant 0.000000e+00 : f32
      %broadcast_in_dim3A_75 = vector.broadcast %broadcast_in_dim3A_74 : f32 to vector<16xf32>
      %swap3A_76 = arith.index_cast %scan3A_33 : i32 to index
      %swap3A_77 = arith.constant 96 : index
      %swap3A_78 = tpu.vector_load %arg5[%swap3A_76, %swap3A_77] {strides = array<i32>} : memref<128x128xf32, #tpu.memory_space<vmem>>, vector<1x16xf32>,
      %swap3A_79 = vector.shape_cast %swap3A_78 : vector<1x16xf32> to vector<16xf32>
      %swap3A_80 = vector.shape_cast %broadcast_in_dim3A_75 : vector<16xf32> to vector<1x16xf32>
      tpu.vector_store %arg5[%swap3A_76, %swap3A_77], %swap3A_80 {strides = array<i32>} : memref<128x128xf32, #tpu.memory_space<vmem>>, vector<1x16xf32>,
      %broadcast_in_dim3A_81 = arith.constant 0.000000e+00 : f32
      %broadcast_in_dim3A_82 = vector.broadcast %broadcast_in_dim3A_81 : f32 to vector<16xf32>
      %swap3A_83 = arith.index_cast %scan3A_33 : i32 to index
      %swap3A_84 = arith.constant 112 : index
      %swap3A_85 = tpu.vector_load %arg5[%swap3A_83, %swap3A_84] {strides = array<i32>} : memref<128x128xf32, #tpu.memory_space<vmem>>, vector<1x16xf32>,
      %swap3A_86 = vector.shape_cast %swap3A_85 : vector<1x16xf32> to vector<16xf32>
      %swap3A_87 = vector.shape_cast %broadcast_in_dim3A_82 : vector<16xf32> to vector<1x16xf32>
      tpu.vector_store %arg5[%swap3A_83, %swap3A_84], %swap3A_87 {strides = array<i32>} : memref<128x128xf32, #tpu.memory_space<vmem>>, vector<1x16xf32>,
    }
    %scan3A_5 = arith.constant 128 : i32
    %mul3A_6 = arith.constant 632 : i32
    %mul3A_7 = arith.muli %arg1, %mul3A_6 : i32
    %add3A_8 = arith.constant 0 : i32
    %add3A_9 = arith.addi %mul3A_7, %add3A_8 : i32
    "tpu.region"() ({
      %run_scoped3A = tpu.sem_alloc : memref<!tpu.dma_semaphore, #tpu.memory_space<semaphore_mem>>
      %dma_start3A = arith.constant 0 : i32
      %dma_start3A_33 = tpu.memref_slice %arg6[%add3A_9, %dma_start3A] : memref<10112x128xf32, #tpu.memory_space<vmem_shared>> -> memref<128x128xf32, #tpu.memory_space<vmem_shared>>
      %dma_start3A_34 = arith.constant 0 : i32
      %dma_start3A_35 = tpu.memref_slice %arg6[%add3A_9, %dma_start3A_34] : memref<10112x128xf32, #tpu.memory_space<vmem_shared>> -> memref<128x128xf32, #tpu.memory_space<vmem_shared>>
      tpu.enqueue_dma source(%arg5 : memref<128x128xf32, #tpu.memory_space<vmem>>) target(%dma_start3A_35 : memref<128x128xf32, #tpu.memory_space<vmem_shared>>) target_semaphore(%run_scoped3A : memref<!tpu.dma_semaphore, #tpu.memory_space<semaphore_mem>>)
      %dma_wait3A = arith.constant 0 : i32
      %dma_wait3A_36 = tpu.memref_slice %arg6[%add3A_9, %dma_wait3A] : memref<10112x128xf32, #tpu.memory_space<vmem_shared>> -> memref<128x128xf32, #tpu.memory_space<vmem_shared>>
      %dma_wait3A_37 = arith.constant 0 : i32
      %dma_wait3A_38 = tpu.memref_slice %arg6[%add3A_9, %dma_wait3A_37] : memref<10112x128xf32, #tpu.memory_space<vmem_shared>> -> memref<128x128xf32, #tpu.memory_space<vmem_shared>>
      tpu.wait_dma2 semaphore(%run_scoped3A : memref<!tpu.dma_semaphore, #tpu.memory_space<semaphore_mem>>) src(%arg5 : memref<128x128xf32, #tpu.memory_space<vmem>>) dst(%dma_wait3A_38 : memref<128x128xf32, #tpu.memory_space<vmem_shared>>)
      tpu.yield
    }) : () -> ()
    %add3A_10 = arith.constant 128 : i32
    %add3A_11 = arith.addi %mul3A_7, %add3A_10 : i32
    "tpu.region"() ({
      %run_scoped3A = tpu.sem_alloc : memref<!tpu.dma_semaphore, #tpu.memory_space<semaphore_mem>>
      %dma_start3A = arith.constant 0 : i32
      %dma_start3A_33 = tpu.memref_slice %arg6[%add3A_11, %dma_start3A] : memref<10112x128xf32, #tpu.memory_space<vmem_shared>> -> memref<128x128xf32, #tpu.memory_space<vmem_shared>>
      %dma_start3A_34 = arith.constant 0 : i32
      %dma_start3A_35 = tpu.memref_slice %arg6[%add3A_11, %dma_start3A_34] : memref<10112x128xf32, #tpu.memory_space<vmem_shared>> -> memref<128x128xf32, #tpu.memory_space<vmem_shared>>
      tpu.enqueue_dma source(%arg5 : memref<128x128xf32, #tpu.memory_space<vmem>>) target(%dma_start3A_35 : memref<128x128xf32, #tpu.memory_space<vmem_shared>>) target_semaphore(%run_scoped3A : memref<!tpu.dma_semaphore, #tpu.memory_space<semaphore_mem>>)
      %dma_wait3A = arith.constant 0 : i32
      %dma_wait3A_36 = tpu.memref_slice %arg6[%add3A_11, %dma_wait3A] : memref<10112x128xf32, #tpu.memory_space<vmem_shared>> -> memref<128x128xf32, #tpu.memory_space<vmem_shared>>
      %dma_wait3A_37 = arith.constant 0 : i32
      %dma_wait3A_38 = tpu.memref_slice %arg6[%add3A_11, %dma_wait3A_37] : memref<10112x128xf32, #tpu.memory_space<vmem_shared>> -> memref<128x128xf32, #tpu.memory_space<vmem_shared>>
      tpu.wait_dma2 semaphore(%run_scoped3A : memref<!tpu.dma_semaphore, #tpu.memory_space<semaphore_mem>>) src(%arg5 : memref<128x128xf32, #tpu.memory_space<vmem>>) dst(%dma_wait3A_38 : memref<128x128xf32, #tpu.memory_space<vmem_shared>>)
      tpu.yield
    }) : () -> ()
    %add3A_12 = arith.constant 256 : i32
    %add3A_13 = arith.addi %mul3A_7, %add3A_12 : i32
    "tpu.region"() ({
      %run_scoped3A = tpu.sem_alloc : memref<!tpu.dma_semaphore, #tpu.memory_space<semaphore_mem>>
      %dma_start3A = arith.constant 0 : i32
      %dma_start3A_33 = tpu.memref_slice %arg6[%add3A_13, %dma_start3A] : memref<10112x128xf32, #tpu.memory_space<vmem_shared>> -> memref<128x128xf32, #tpu.memory_space<vmem_shared>>
      %dma_start3A_34 = arith.constant 0 : i32
      %dma_start3A_35 = tpu.memref_slice %arg6[%add3A_13, %dma_start3A_34] : memref<10112x128xf32, #tpu.memory_space<vmem_shared>> -> memref<128x128xf32, #tpu.memory_space<vmem_shared>>
      tpu.enqueue_dma source(%arg5 : memref<128x128xf32, #tpu.memory_space<vmem>>) target(%dma_start3A_35 : memref<128x128xf32, #tpu.memory_space<vmem_shared>>) target_semaphore(%run_scoped3A : memref<!tpu.dma_semaphore, #tpu.memory_space<semaphore_mem>>)
      %dma_wait3A = arith.constant 0 : i32
      %dma_wait3A_36 = tpu.memref_slice %arg6[%add3A_13, %dma_wait3A] : memref<10112x128xf32, #tpu.memory_space<vmem_shared>> -> memref<128x128xf32, #tpu.memory_space<vmem_shared>>
      %dma_wait3A_37 = arith.constant 0 : i32
      %dma_wait3A_38 = tpu.memref_slice %arg6[%add3A_13, %dma_wait3A_37] : memref<10112x128xf32, #tpu.memory_space<vmem_shared>> -> memref<128x128xf32, #tpu.memory_space<vmem_shared>>
      tpu.wait_dma2 semaphore(%run_scoped3A : memref<!tpu.dma_semaphore, #tpu.memory_space<semaphore_mem>>) src(%arg5 : memref<128x128xf32, #tpu.memory_space<vmem>>) dst(%dma_wait3A_38 : memref<128x128xf32, #tpu.memory_space<vmem_shared>>)
      tpu.yield
    }) : () -> ()
    %add3A_14 = arith.constant 384 : i32
    %add3A_15 = arith.addi %mul3A_7, %add3A_14 : i32
    "tpu.region"() ({
      %run_scoped3A = tpu.sem_alloc : memref<!tpu.dma_semaphore, #tpu.memory_space<semaphore_mem>>
      %dma_start3A = arith.constant 0 : i32
      %dma_start3A_33 = tpu.memref_slice %arg6[%add3A_15, %dma_start3A] : memref<10112x128xf32, #tpu.memory_space<vmem_shared>> -> memref<128x128xf32, #tpu.memory_space<vmem_shared>>
      %dma_start3A_34 = arith.constant 0 : i32
      %dma_start3A_35 = tpu.memref_slice %arg6[%add3A_15, %dma_start3A_34] : memref<10112x128xf32, #tpu.memory_space<vmem_shared>> -> memref<128x128xf32, #tpu.memory_space<vmem_shared>>
      tpu.enqueue_dma source(%arg5 : memref<128x128xf32, #tpu.memory_space<vmem>>) target(%dma_start3A_35 : memref<128x128xf32, #tpu.memory_space<vmem_shared>>) target_semaphore(%run_scoped3A : memref<!tpu.dma_semaphore, #tpu.memory_space<semaphore_mem>>)
      %dma_wait3A = arith.constant 0 : i32
      %dma_wait3A_36 = tpu.memref_slice %arg6[%add3A_15, %dma_wait3A] : memref<10112x128xf32, #tpu.memory_space<vmem_shared>> -> memref<128x128xf32, #tpu.memory_space<vmem_shared>>
      %dma_wait3A_37 = arith.constant 0 : i32
      %dma_wait3A_38 = tpu.memref_slice %arg6[%add3A_15, %dma_wait3A_37] : memref<10112x128xf32, #tpu.memory_space<vmem_shared>> -> memref<128x128xf32, #tpu.memory_space<vmem_shared>>
      tpu.wait_dma2 semaphore(%run_scoped3A : memref<!tpu.dma_semaphore, #tpu.memory_space<semaphore_mem>>) src(%arg5 : memref<128x128xf32, #tpu.memory_space<vmem>>) dst(%dma_wait3A_38 : memref<128x128xf32, #tpu.memory_space<vmem_shared>>)
      tpu.yield
    }) : () -> ()
    %add3A_16 = arith.constant 512 : i32
    %add3A_17 = arith.addi %mul3A_7, %add3A_16 : i32
    "tpu.region"() ({
      %run_scoped3A = tpu.sem_alloc : memref<!tpu.dma_semaphore, #tpu.memory_space<semaphore_mem>>
      %dma_start3A = arith.constant 0 : i32
      %dma_start3A_33 = arith.constant 0 : i32
      %dma_start3A_34 = tpu.memref_slice %arg5[%dma_start3A, %dma_start3A_33] : memref<128x128xf32, #tpu.memory_space<vmem>> -> memref<120x128xf32, #tpu.memory_space<vmem>>
      %dma_start3A_35 = arith.constant 0 : i32
      %dma_start3A_36 = tpu.memref_slice %arg6[%add3A_17, %dma_start3A_35] : memref<10112x128xf32, #tpu.memory_space<vmem_shared>> -> memref<120x128xf32, #tpu.memory_space<vmem_shared>>
      %dma_start3A_37 = arith.constant 0 : i32
      %dma_start3A_38 = tpu.memref_slice %arg6[%add3A_17, %dma_start3A_37] : memref<10112x128xf32, #tpu.memory_space<vmem_shared>> -> memref<120x128xf32, #tpu.memory_space<vmem_shared>>
      %dma_start3A_39 = arith.constant 0 : i32
      %dma_start3A_40 = arith.constant 0 : i32
      %dma_start3A_41 = tpu.memref_slice %arg5[%dma_start3A_39, %dma_start3A_40] : memref<128x128xf32, #tpu.memory_space<vmem>> -> memref<120x128xf32, #tpu.memory_space<vmem>>
      tpu.enqueue_dma source(%dma_start3A_41 : memref<120x128xf32, #tpu.memory_space<vmem>>) target(%dma_start3A_38 : memref<120x128xf32, #tpu.memory_space<vmem_shared>>) target_semaphore(%run_scoped3A : memref<!tpu.dma_semaphore, #tpu.memory_space<semaphore_mem>>)
      %dma_wait3A = arith.constant 0 : i32
      %dma_wait3A_42 = arith.constant 0 : i32
      %dma_wait3A_43 = tpu.memref_slice %arg5[%dma_wait3A, %dma_wait3A_42] : memref<128x128xf32, #tpu.memory_space<vmem>> -> memref<120x128xf32, #tpu.memory_space<vmem>>
      %dma_wait3A_44 = arith.constant 0 : i32
      %dma_wait3A_45 = tpu.memref_slice %arg6[%add3A_17, %dma_wait3A_44] : memref<10112x128xf32, #tpu.memory_space<vmem_shared>> -> memref<120x128xf32, #tpu.memory_space<vmem_shared>>
      %dma_wait3A_46 = arith.constant 0 : i32
      %dma_wait3A_47 = tpu.memref_slice %arg6[%add3A_17, %dma_wait3A_46] : memref<10112x128xf32, #tpu.memory_space<vmem_shared>> -> memref<120x128xf32, #tpu.memory_space<vmem_shared>>
      %dma_wait3A_48 = arith.constant 0 : i32
      %dma_wait3A_49 = arith.constant 0 : i32
      %dma_wait3A_50 = tpu.memref_slice %arg5[%dma_wait3A_48, %dma_wait3A_49] : memref<128x128xf32, #tpu.memory_space<vmem>> -> memref<120x128xf32, #tpu.memory_space<vmem>>
      tpu.wait_dma2 semaphore(%run_scoped3A : memref<!tpu.dma_semaphore, #tpu.memory_space<semaphore_mem>>) src(%dma_wait3A_50 : memref<120x128xf32, #tpu.memory_space<vmem>>) dst(%dma_wait3A_47 : memref<120x128xf32, #tpu.memory_space<vmem_shared>>)
      tpu.yield
    }) : () -> ()
    %scan3A_18 = arith.constant 0 : i32
    %scan3A_19 = arith.constant 0 : i32
    %scan3A_20 = arith.constant 128 : i32
    %scan3A_21 = arith.addi %scan3A_19, %scan3A_20 : i32
    %scan3A_22 = arith.constant 1 : i32
    scf.for %scan3A_33 = %scan3A_19 to %scan3A_21 step %scan3A_22  : i32 {
      %broadcast_in_dim3A = arith.constant 1.000000e+00 : f32
      %broadcast_in_dim3A_34 = vector.broadcast %broadcast_in_dim3A : f32 to vector<16xf32>
      %swap3A = arith.index_cast %scan3A_33 : i32 to index
      %swap3A_35 = arith.constant 0 : index
      %swap3A_36 = tpu.vector_load %arg5[%swap3A, %swap3A_35] {strides = array<i32>} : memref<128x128xf32, #tpu.memory_space<vmem>>, vector<1x16xf32>,
      %swap3A_37 = vector.shape_cast %swap3A_36 : vector<1x16xf32> to vector<16xf32>
      %swap3A_38 = vector.shape_cast %broadcast_in_dim3A_34 : vector<16xf32> to vector<1x16xf32>
      tpu.vector_store %arg5[%swap3A, %swap3A_35], %swap3A_38 {strides = array<i32>} : memref<128x128xf32, #tpu.memory_space<vmem>>, vector<1x16xf32>,
    }
    %scan3A_23 = arith.constant 128 : i32
    %barrier3A = arith.constant 0 : index
    tpu.barrier barrier_id(%barrier3A)
    %mul3A_24 = arith.constant 10112 : i32
    %mul3A_25 = arith.muli %add3A, %mul3A_24 : i32
    %scan3A_26 = arith.constant 0 : i32
    %scan3A_27 = arith.constant 0 : i32
    %scan3A_28 = arith.constant 79 : i32
    %scan3A_29 = arith.addi %scan3A_27, %scan3A_28 : i32
    %scan3A_30 = arith.constant 1 : i32
    scf.for %scan3A_33 = %scan3A_27 to %scan3A_29 step %scan3A_30  : i32 {
      %mul3A_34 = arith.constant 128 : i32
      %mul3A_35 = arith.muli %scan3A_33, %mul3A_34 : i32
      %add3A_36 = arith.addi %mul3A_25, %mul3A_35 : i32
      "tpu.region"() ({
        %run_scoped3A = tpu.sem_alloc : memref<!tpu.dma_semaphore, #tpu.memory_space<semaphore_mem>>
        %dma_start3A = tpu.memref_slice %arg2[%add3A_36] : memref<323584xi32, #tpu.memory_space<hbm>> -> memref<128xi32, #tpu.memory_space<hbm>>
        %dma_start3A_37 = tpu.memref_slice %arg2[%add3A_36] : memref<323584xi32, #tpu.memory_space<hbm>> -> memref<128xi32, #tpu.memory_space<hbm>>
        tpu.enqueue_dma source(%dma_start3A_37 : memref<128xi32, #tpu.memory_space<hbm>>) target(%arg4 : memref<128xi32, #tpu.memory_space<vmem>>) target_semaphore(%run_scoped3A : memref<!tpu.dma_semaphore, #tpu.memory_space<semaphore_mem>>)
        %dma_wait3A = tpu.memref_slice %arg2[%add3A_36] : memref<323584xi32, #tpu.memory_space<hbm>> -> memref<128xi32, #tpu.memory_space<hbm>>
        %dma_wait3A_38 = tpu.memref_slice %arg2[%add3A_36] : memref<323584xi32, #tpu.memory_space<hbm>> -> memref<128xi32, #tpu.memory_space<hbm>>
        tpu.wait_dma2 semaphore(%run_scoped3A : memref<!tpu.dma_semaphore, #tpu.memory_space<semaphore_mem>>) src(%dma_wait3A_38 : memref<128xi32, #tpu.memory_space<hbm>>) dst(%arg4 : memref<128xi32, #tpu.memory_space<vmem>>)
        tpu.yield
      }) : () -> ()
      "tpu.region"() ({
        %run_scoped3A = tpu.sem_alloc : memref<!tpu.dma_semaphore, #tpu.memory_space<semaphore_mem>>
        %dma_start3A = arith.constant 0 : i32
        %dma_start3A_37 = arith.constant 0 : i32
        %dma_start3A_38 = tpu.memref_slice %arg6[%dma_start3A, %dma_start3A_37] : memref<10112x128xf32, #tpu.memory_space<vmem_shared>> -> memref<10112x128xf32, #tpu.memory_space<vmem_shared>>
        tpu.enqueue_indirect_dma source(%arg5 : memref<128x128xf32, #tpu.memory_space<vmem>>) target(%dma_start3A_38 : memref<10112x128xf32, #tpu.memory_space<vmem_shared>>) offsets(%arg4 : memref<128xi32, #tpu.memory_space<vmem>>) semaphore(%run_scoped3A : memref<!tpu.dma_semaphore, #tpu.memory_space<semaphore_mem>>) {add = true}
        %dma_wait3A = arith.constant 0 : i32
        %dma_wait3A_39 = arith.constant 0 : i32
        %dma_wait3A_40 = tpu.memref_slice %arg6[%dma_wait3A, %dma_wait3A_39] : memref<10112x128xf32, #tpu.memory_space<vmem_shared>> -> memref<10112x128xf32, #tpu.memory_space<vmem_shared>>
        tpu.wait_indirect_dma semaphore(%run_scoped3A : memref<!tpu.dma_semaphore, #tpu.memory_space<semaphore_mem>>) src(%arg5 : memref<128x128xf32, #tpu.memory_space<vmem>>) dst(%dma_wait3A_40 : memref<10112x128xf32, #tpu.memory_space<vmem_shared>>)
        tpu.yield
      }) : () -> ()
    }
    %scan3A_31 = arith.constant 79 : i32
    %barrier3A_32 = arith.constant 0 : index
    tpu.barrier barrier_id(%barrier3A_32)
    "tpu.region"() ({
      %run_scoped3A = tpu.sem_alloc : memref<!tpu.dma_semaphore, #tpu.memory_space<semaphore_mem>>
      %dma_start3A = arith.constant 0 : i32
      %dma_start3A_33 = tpu.memref_slice %arg3[%arg0, %mul3A_7, %dma_start3A] : memref<2x10112x128xf32, #tpu.memory_space<hbm>> -> memref<1x632x128xf32, #tpu.memory_space<hbm>>
      %dma_start3A_34 = tpu.memref_squeeze %dma_start3A_33 : memref<1x632x128xf32, #tpu.memory_space<hbm>> -> memref<632x128xf32, #tpu.memory_space<hbm>>
      %dma_start3A_35 = arith.constant 0 : i32
      %dma_start3A_36 = tpu.memref_slice %arg6[%mul3A_7, %dma_start3A_35] : memref<10112x128xf32, #tpu.memory_space<vmem_shared>> -> memref<632x128xf32, #tpu.memory_space<vmem_shared>>
      tpu.enqueue_dma source(%dma_start3A_36 : memref<632x128xf32, #tpu.memory_space<vmem_shared>>) target(%dma_start3A_34 : memref<632x128xf32, #tpu.memory_space<hbm>>) target_semaphore(%run_scoped3A : memref<!tpu.dma_semaphore, #tpu.memory_space<semaphore_mem>>)
      %dma_wait3A = arith.constant 0 : i32
      %dma_wait3A_37 = tpu.memref_slice %arg3[%arg0, %mul3A_7, %dma_wait3A] : memref<2x10112x128xf32, #tpu.memory_space<hbm>> -> memref<1x632x128xf32, #tpu.memory_space<hbm>>
      %dma_wait3A_38 = tpu.memref_squeeze %dma_wait3A_37 : memref<1x632x128xf32, #tpu.memory_space<hbm>> -> memref<632x128xf32, #tpu.memory_space<hbm>>
      %dma_wait3A_39 = arith.constant 0 : i32
      %dma_wait3A_40 = tpu.memref_slice %arg6[%mul3A_7, %dma_wait3A_39] : memref<10112x128xf32, #tpu.memory_space<vmem_shared>> -> memref<632x128xf32, #tpu.memory_space<vmem_shared>>
      tpu.wait_dma2 semaphore(%run_scoped3A : memref<!tpu.dma_semaphore, #tpu.memory_space<semaphore_mem>>) src(%dma_wait3A_40 : memref<632x128xf32, #tpu.memory_space<vmem_shared>>) dst(%dma_wait3A_38 : memref<632x128xf32, #tpu.memory_space<hbm>>)
      tpu.yield
    }) : () -> ()
    return
  }
}

#map = affine_map<(d0, d1) -> (0, 0)>
#map1 = affine_map<(d0, d1) -> (0)>
#map2 = affine_map<(d0, d1) -> (0, 0, 0)>
module attributes {stable_mosaic.version = 14 : i64} {
  func.func @k(%arg0: i32, %arg1: i32, %arg2: memref<10000x128xf32, #tpu.memory_space<hbm>>, %arg3: memref<323584xi32, #tpu.memory_space<hbm>>, %arg4: memref<323584xi32, #tpu.memory_space<hbm>>, %arg5: memref<2x10112x128xf32, #tpu.memory_space<hbm>>, %arg6: memref<128xi32, #tpu.memory_space<vmem>>, %arg7: memref<128xi32, #tpu.memory_space<vmem>>, %arg8: memref<128x128xf32, #tpu.memory_space<vmem>>, %arg9: memref<10112x128xf32, #tpu.memory_space<vmem_shared>>, %arg10: memref<!tpu.dma_semaphore, #tpu.memory_space<semaphore_mem>>) attributes {dimension_semantics = [#tpu.dimension_semantics<core_parallel>, #tpu.dimension_semantics<subcore_parallel>], iteration_bounds = array<i64: 2, 16>, scalar_prefetch = 0 : i64, scratch_operands = 5 : i64, tpu.core_type = #tpu.core_type<sc_vector_subcore>, window_params = [{transform_indices = #map}, {transform_indices = #map1}, {transform_indices = #map1}, {transform_indices = #map2}]} {
    %mul3A = arith.constant 16 : i32
    %mul3A_0 = arith.muli %arg0, %mul3A : i32
    %add3A = arith.addi %mul3A_0, %arg1 : i32
    %scan3A = arith.constant 0 : i32
    %scan3A_1 = arith.constant 0 : i32
    %scan3A_2 = arith.constant 128 : i32
    %scan3A_3 = arith.addi %scan3A_1, %scan3A_2 : i32
    %scan3A_4 = arith.constant 1 : i32
    scf.for %scan3A_27 = %scan3A_1 to %scan3A_3 step %scan3A_4  : i32 {
      %broadcast_in_dim3A = arith.constant 0.000000e+00 : f32
      %broadcast_in_dim3A_28 = vector.broadcast %broadcast_in_dim3A : f32 to vector<16xf32>
      %swap3A = arith.index_cast %scan3A_27 : i32 to index
      %swap3A_29 = arith.constant 0 : index
      %swap3A_30 = tpu.vector_load %arg8[%swap3A, %swap3A_29] {strides = array<i32>} : memref<128x128xf32, #tpu.memory_space<vmem>>, vector<1x16xf32>,
      %swap3A_31 = vector.shape_cast %swap3A_30 : vector<1x16xf32> to vector<16xf32>
      %swap3A_32 = vector.shape_cast %broadcast_in_dim3A_28 : vector<16xf32> to vector<1x16xf32>
      tpu.vector_store %arg8[%swap3A, %swap3A_29], %swap3A_32 {strides = array<i32>} : memref<128x128xf32, #tpu.memory_space<vmem>>, vector<1x16xf32>,
      %broadcast_in_dim3A_33 = arith.constant 0.000000e+00 : f32
      %broadcast_in_dim3A_34 = vector.broadcast %broadcast_in_dim3A_33 : f32 to vector<16xf32>
      %swap3A_35 = arith.index_cast %scan3A_27 : i32 to index
      %swap3A_36 = arith.constant 16 : index
      %swap3A_37 = tpu.vector_load %arg8[%swap3A_35, %swap3A_36] {strides = array<i32>} : memref<128x128xf32, #tpu.memory_space<vmem>>, vector<1x16xf32>,
      %swap3A_38 = vector.shape_cast %swap3A_37 : vector<1x16xf32> to vector<16xf32>
      %swap3A_39 = vector.shape_cast %broadcast_in_dim3A_34 : vector<16xf32> to vector<1x16xf32>
      tpu.vector_store %arg8[%swap3A_35, %swap3A_36], %swap3A_39 {strides = array<i32>} : memref<128x128xf32, #tpu.memory_space<vmem>>, vector<1x16xf32>,
      %broadcast_in_dim3A_40 = arith.constant 0.000000e+00 : f32
      %broadcast_in_dim3A_41 = vector.broadcast %broadcast_in_dim3A_40 : f32 to vector<16xf32>
      %swap3A_42 = arith.index_cast %scan3A_27 : i32 to index
      %swap3A_43 = arith.constant 32 : index
      %swap3A_44 = tpu.vector_load %arg8[%swap3A_42, %swap3A_43] {strides = array<i32>} : memref<128x128xf32, #tpu.memory_space<vmem>>, vector<1x16xf32>,
      %swap3A_45 = vector.shape_cast %swap3A_44 : vector<1x16xf32> to vector<16xf32>
      %swap3A_46 = vector.shape_cast %broadcast_in_dim3A_41 : vector<16xf32> to vector<1x16xf32>
      tpu.vector_store %arg8[%swap3A_42, %swap3A_43], %swap3A_46 {strides = array<i32>} : memref<128x128xf32, #tpu.memory_space<vmem>>, vector<1x16xf32>,
      %broadcast_in_dim3A_47 = arith.constant 0.000000e+00 : f32
      %broadcast_in_dim3A_48 = vector.broadcast %broadcast_in_dim3A_47 : f32 to vector<16xf32>
      %swap3A_49 = arith.index_cast %scan3A_27 : i32 to index
      %swap3A_50 = arith.constant 48 : index
      %swap3A_51 = tpu.vector_load %arg8[%swap3A_49, %swap3A_50] {strides = array<i32>} : memref<128x128xf32, #tpu.memory_space<vmem>>, vector<1x16xf32>,
      %swap3A_52 = vector.shape_cast %swap3A_51 : vector<1x16xf32> to vector<16xf32>
      %swap3A_53 = vector.shape_cast %broadcast_in_dim3A_48 : vector<16xf32> to vector<1x16xf32>
      tpu.vector_store %arg8[%swap3A_49, %swap3A_50], %swap3A_53 {strides = array<i32>} : memref<128x128xf32, #tpu.memory_space<vmem>>, vector<1x16xf32>,
      %broadcast_in_dim3A_54 = arith.constant 0.000000e+00 : f32
      %broadcast_in_dim3A_55 = vector.broadcast %broadcast_in_dim3A_54 : f32 to vector<16xf32>
      %swap3A_56 = arith.index_cast %scan3A_27 : i32 to index
      %swap3A_57 = arith.constant 64 : index
      %swap3A_58 = tpu.vector_load %arg8[%swap3A_56, %swap3A_57] {strides = array<i32>} : memref<128x128xf32, #tpu.memory_space<vmem>>, vector<1x16xf32>,
      %swap3A_59 = vector.shape_cast %swap3A_58 : vector<1x16xf32> to vector<16xf32>
      %swap3A_60 = vector.shape_cast %broadcast_in_dim3A_55 : vector<16xf32> to vector<1x16xf32>
      tpu.vector_store %arg8[%swap3A_56, %swap3A_57], %swap3A_60 {strides = array<i32>} : memref<128x128xf32, #tpu.memory_space<vmem>>, vector<1x16xf32>,
      %broadcast_in_dim3A_61 = arith.constant 0.000000e+00 : f32
      %broadcast_in_dim3A_62 = vector.broadcast %broadcast_in_dim3A_61 : f32 to vector<16xf32>
      %swap3A_63 = arith.index_cast %scan3A_27 : i32 to index
      %swap3A_64 = arith.constant 80 : index
      %swap3A_65 = tpu.vector_load %arg8[%swap3A_63, %swap3A_64] {strides = array<i32>} : memref<128x128xf32, #tpu.memory_space<vmem>>, vector<1x16xf32>,
      %swap3A_66 = vector.shape_cast %swap3A_65 : vector<1x16xf32> to vector<16xf32>
      %swap3A_67 = vector.shape_cast %broadcast_in_dim3A_62 : vector<16xf32> to vector<1x16xf32>
      tpu.vector_store %arg8[%swap3A_63, %swap3A_64], %swap3A_67 {strides = array<i32>} : memref<128x128xf32, #tpu.memory_space<vmem>>, vector<1x16xf32>,
      %broadcast_in_dim3A_68 = arith.constant 0.000000e+00 : f32
      %broadcast_in_dim3A_69 = vector.broadcast %broadcast_in_dim3A_68 : f32 to vector<16xf32>
      %swap3A_70 = arith.index_cast %scan3A_27 : i32 to index
      %swap3A_71 = arith.constant 96 : index
      %swap3A_72 = tpu.vector_load %arg8[%swap3A_70, %swap3A_71] {strides = array<i32>} : memref<128x128xf32, #tpu.memory_space<vmem>>, vector<1x16xf32>,
      %swap3A_73 = vector.shape_cast %swap3A_72 : vector<1x16xf32> to vector<16xf32>
      %swap3A_74 = vector.shape_cast %broadcast_in_dim3A_69 : vector<16xf32> to vector<1x16xf32>
      tpu.vector_store %arg8[%swap3A_70, %swap3A_71], %swap3A_74 {strides = array<i32>} : memref<128x128xf32, #tpu.memory_space<vmem>>, vector<1x16xf32>,
      %broadcast_in_dim3A_75 = arith.constant 0.000000e+00 : f32
      %broadcast_in_dim3A_76 = vector.broadcast %broadcast_in_dim3A_75 : f32 to vector<16xf32>
      %swap3A_77 = arith.index_cast %scan3A_27 : i32 to index
      %swap3A_78 = arith.constant 112 : index
      %swap3A_79 = tpu.vector_load %arg8[%swap3A_77, %swap3A_78] {strides = array<i32>} : memref<128x128xf32, #tpu.memory_space<vmem>>, vector<1x16xf32>,
      %swap3A_80 = vector.shape_cast %swap3A_79 : vector<1x16xf32> to vector<16xf32>
      %swap3A_81 = vector.shape_cast %broadcast_in_dim3A_76 : vector<16xf32> to vector<1x16xf32>
      tpu.vector_store %arg8[%swap3A_77, %swap3A_78], %swap3A_81 {strides = array<i32>} : memref<128x128xf32, #tpu.memory_space<vmem>>, vector<1x16xf32>,
    }
    %scan3A_5 = arith.constant 128 : i32
    %mul3A_6 = arith.constant 632 : i32
    %mul3A_7 = arith.muli %arg1, %mul3A_6 : i32
    %add3A_8 = arith.constant 0 : i32
    %add3A_9 = arith.addi %mul3A_7, %add3A_8 : i32
    "tpu.region"() ({
      %run_scoped3A = tpu.sem_alloc : memref<!tpu.dma_semaphore, #tpu.memory_space<semaphore_mem>>
      %dma_start3A = arith.constant 0 : i32
      %dma_start3A_27 = tpu.memref_slice %arg9[%add3A_9, %dma_start3A] : memref<10112x128xf32, #tpu.memory_space<vmem_shared>> -> memref<128x128xf32, #tpu.memory_space<vmem_shared>>
      %dma_start3A_28 = arith.constant 0 : i32
      %dma_start3A_29 = tpu.memref_slice %arg9[%add3A_9, %dma_start3A_28] : memref<10112x128xf32, #tpu.memory_space<vmem_shared>> -> memref<128x128xf32, #tpu.memory_space<vmem_shared>>
      tpu.enqueue_dma source(%arg8 : memref<128x128xf32, #tpu.memory_space<vmem>>) target(%dma_start3A_29 : memref<128x128xf32, #tpu.memory_space<vmem_shared>>) target_semaphore(%run_scoped3A : memref<!tpu.dma_semaphore, #tpu.memory_space<semaphore_mem>>)
      %dma_wait3A = arith.constant 0 : i32
      %dma_wait3A_30 = tpu.memref_slice %arg9[%add3A_9, %dma_wait3A] : memref<10112x128xf32, #tpu.memory_space<vmem_shared>> -> memref<128x128xf32, #tpu.memory_space<vmem_shared>>
      %dma_wait3A_31 = arith.constant 0 : i32
      %dma_wait3A_32 = tpu.memref_slice %arg9[%add3A_9, %dma_wait3A_31] : memref<10112x128xf32, #tpu.memory_space<vmem_shared>> -> memref<128x128xf32, #tpu.memory_space<vmem_shared>>
      tpu.wait_dma2 semaphore(%run_scoped3A : memref<!tpu.dma_semaphore, #tpu.memory_space<semaphore_mem>>) src(%arg8 : memref<128x128xf32, #tpu.memory_space<vmem>>) dst(%dma_wait3A_32 : memref<128x128xf32, #tpu.memory_space<vmem_shared>>)
      tpu.yield
    }) : () -> ()
    %add3A_10 = arith.constant 128 : i32
    %add3A_11 = arith.addi %mul3A_7, %add3A_10 : i32
    "tpu.region"() ({
      %run_scoped3A = tpu.sem_alloc : memref<!tpu.dma_semaphore, #tpu.memory_space<semaphore_mem>>
      %dma_start3A = arith.constant 0 : i32
      %dma_start3A_27 = tpu.memref_slice %arg9[%add3A_11, %dma_start3A] : memref<10112x128xf32, #tpu.memory_space<vmem_shared>> -> memref<128x128xf32, #tpu.memory_space<vmem_shared>>
      %dma_start3A_28 = arith.constant 0 : i32
      %dma_start3A_29 = tpu.memref_slice %arg9[%add3A_11, %dma_start3A_28] : memref<10112x128xf32, #tpu.memory_space<vmem_shared>> -> memref<128x128xf32, #tpu.memory_space<vmem_shared>>
      tpu.enqueue_dma source(%arg8 : memref<128x128xf32, #tpu.memory_space<vmem>>) target(%dma_start3A_29 : memref<128x128xf32, #tpu.memory_space<vmem_shared>>) target_semaphore(%run_scoped3A : memref<!tpu.dma_semaphore, #tpu.memory_space<semaphore_mem>>)
      %dma_wait3A = arith.constant 0 : i32
      %dma_wait3A_30 = tpu.memref_slice %arg9[%add3A_11, %dma_wait3A] : memref<10112x128xf32, #tpu.memory_space<vmem_shared>> -> memref<128x128xf32, #tpu.memory_space<vmem_shared>>
      %dma_wait3A_31 = arith.constant 0 : i32
      %dma_wait3A_32 = tpu.memref_slice %arg9[%add3A_11, %dma_wait3A_31] : memref<10112x128xf32, #tpu.memory_space<vmem_shared>> -> memref<128x128xf32, #tpu.memory_space<vmem_shared>>
      tpu.wait_dma2 semaphore(%run_scoped3A : memref<!tpu.dma_semaphore, #tpu.memory_space<semaphore_mem>>) src(%arg8 : memref<128x128xf32, #tpu.memory_space<vmem>>) dst(%dma_wait3A_32 : memref<128x128xf32, #tpu.memory_space<vmem_shared>>)
      tpu.yield
    }) : () -> ()
    %add3A_12 = arith.constant 256 : i32
    %add3A_13 = arith.addi %mul3A_7, %add3A_12 : i32
    "tpu.region"() ({
      %run_scoped3A = tpu.sem_alloc : memref<!tpu.dma_semaphore, #tpu.memory_space<semaphore_mem>>
      %dma_start3A = arith.constant 0 : i32
      %dma_start3A_27 = tpu.memref_slice %arg9[%add3A_13, %dma_start3A] : memref<10112x128xf32, #tpu.memory_space<vmem_shared>> -> memref<128x128xf32, #tpu.memory_space<vmem_shared>>
      %dma_start3A_28 = arith.constant 0 : i32
      %dma_start3A_29 = tpu.memref_slice %arg9[%add3A_13, %dma_start3A_28] : memref<10112x128xf32, #tpu.memory_space<vmem_shared>> -> memref<128x128xf32, #tpu.memory_space<vmem_shared>>
      tpu.enqueue_dma source(%arg8 : memref<128x128xf32, #tpu.memory_space<vmem>>) target(%dma_start3A_29 : memref<128x128xf32, #tpu.memory_space<vmem_shared>>) target_semaphore(%run_scoped3A : memref<!tpu.dma_semaphore, #tpu.memory_space<semaphore_mem>>)
      %dma_wait3A = arith.constant 0 : i32
      %dma_wait3A_30 = tpu.memref_slice %arg9[%add3A_13, %dma_wait3A] : memref<10112x128xf32, #tpu.memory_space<vmem_shared>> -> memref<128x128xf32, #tpu.memory_space<vmem_shared>>
      %dma_wait3A_31 = arith.constant 0 : i32
      %dma_wait3A_32 = tpu.memref_slice %arg9[%add3A_13, %dma_wait3A_31] : memref<10112x128xf32, #tpu.memory_space<vmem_shared>> -> memref<128x128xf32, #tpu.memory_space<vmem_shared>>
      tpu.wait_dma2 semaphore(%run_scoped3A : memref<!tpu.dma_semaphore, #tpu.memory_space<semaphore_mem>>) src(%arg8 : memref<128x128xf32, #tpu.memory_space<vmem>>) dst(%dma_wait3A_32 : memref<128x128xf32, #tpu.memory_space<vmem_shared>>)
      tpu.yield
    }) : () -> ()
    %add3A_14 = arith.constant 384 : i32
    %add3A_15 = arith.addi %mul3A_7, %add3A_14 : i32
    "tpu.region"() ({
      %run_scoped3A = tpu.sem_alloc : memref<!tpu.dma_semaphore, #tpu.memory_space<semaphore_mem>>
      %dma_start3A = arith.constant 0 : i32
      %dma_start3A_27 = tpu.memref_slice %arg9[%add3A_15, %dma_start3A] : memref<10112x128xf32, #tpu.memory_space<vmem_shared>> -> memref<128x128xf32, #tpu.memory_space<vmem_shared>>
      %dma_start3A_28 = arith.constant 0 : i32
      %dma_start3A_29 = tpu.memref_slice %arg9[%add3A_15, %dma_start3A_28] : memref<10112x128xf32, #tpu.memory_space<vmem_shared>> -> memref<128x128xf32, #tpu.memory_space<vmem_shared>>
      tpu.enqueue_dma source(%arg8 : memref<128x128xf32, #tpu.memory_space<vmem>>) target(%dma_start3A_29 : memref<128x128xf32, #tpu.memory_space<vmem_shared>>) target_semaphore(%run_scoped3A : memref<!tpu.dma_semaphore, #tpu.memory_space<semaphore_mem>>)
      %dma_wait3A = arith.constant 0 : i32
      %dma_wait3A_30 = tpu.memref_slice %arg9[%add3A_15, %dma_wait3A] : memref<10112x128xf32, #tpu.memory_space<vmem_shared>> -> memref<128x128xf32, #tpu.memory_space<vmem_shared>>
      %dma_wait3A_31 = arith.constant 0 : i32
      %dma_wait3A_32 = tpu.memref_slice %arg9[%add3A_15, %dma_wait3A_31] : memref<10112x128xf32, #tpu.memory_space<vmem_shared>> -> memref<128x128xf32, #tpu.memory_space<vmem_shared>>
      tpu.wait_dma2 semaphore(%run_scoped3A : memref<!tpu.dma_semaphore, #tpu.memory_space<semaphore_mem>>) src(%arg8 : memref<128x128xf32, #tpu.memory_space<vmem>>) dst(%dma_wait3A_32 : memref<128x128xf32, #tpu.memory_space<vmem_shared>>)
      tpu.yield
    }) : () -> ()
    %add3A_16 = arith.constant 512 : i32
    %add3A_17 = arith.addi %mul3A_7, %add3A_16 : i32
    "tpu.region"() ({
      %run_scoped3A = tpu.sem_alloc : memref<!tpu.dma_semaphore, #tpu.memory_space<semaphore_mem>>
      %dma_start3A = arith.constant 0 : i32
      %dma_start3A_27 = arith.constant 0 : i32
      %dma_start3A_28 = tpu.memref_slice %arg8[%dma_start3A, %dma_start3A_27] : memref<128x128xf32, #tpu.memory_space<vmem>> -> memref<120x128xf32, #tpu.memory_space<vmem>>
      %dma_start3A_29 = arith.constant 0 : i32
      %dma_start3A_30 = tpu.memref_slice %arg9[%add3A_17, %dma_start3A_29] : memref<10112x128xf32, #tpu.memory_space<vmem_shared>> -> memref<120x128xf32, #tpu.memory_space<vmem_shared>>
      %dma_start3A_31 = arith.constant 0 : i32
      %dma_start3A_32 = tpu.memref_slice %arg9[%add3A_17, %dma_start3A_31] : memref<10112x128xf32, #tpu.memory_space<vmem_shared>> -> memref<120x128xf32, #tpu.memory_space<vmem_shared>>
      %dma_start3A_33 = arith.constant 0 : i32
      %dma_start3A_34 = arith.constant 0 : i32
      %dma_start3A_35 = tpu.memref_slice %arg8[%dma_start3A_33, %dma_start3A_34] : memref<128x128xf32, #tpu.memory_space<vmem>> -> memref<120x128xf32, #tpu.memory_space<vmem>>
      tpu.enqueue_dma source(%dma_start3A_35 : memref<120x128xf32, #tpu.memory_space<vmem>>) target(%dma_start3A_32 : memref<120x128xf32, #tpu.memory_space<vmem_shared>>) target_semaphore(%run_scoped3A : memref<!tpu.dma_semaphore, #tpu.memory_space<semaphore_mem>>)
      %dma_wait3A = arith.constant 0 : i32
      %dma_wait3A_36 = arith.constant 0 : i32
      %dma_wait3A_37 = tpu.memref_slice %arg8[%dma_wait3A, %dma_wait3A_36] : memref<128x128xf32, #tpu.memory_space<vmem>> -> memref<120x128xf32, #tpu.memory_space<vmem>>
      %dma_wait3A_38 = arith.constant 0 : i32
      %dma_wait3A_39 = tpu.memref_slice %arg9[%add3A_17, %dma_wait3A_38] : memref<10112x128xf32, #tpu.memory_space<vmem_shared>> -> memref<120x128xf32, #tpu.memory_space<vmem_shared>>
      %dma_wait3A_40 = arith.constant 0 : i32
      %dma_wait3A_41 = tpu.memref_slice %arg9[%add3A_17, %dma_wait3A_40] : memref<10112x128xf32, #tpu.memory_space<vmem_shared>> -> memref<120x128xf32, #tpu.memory_space<vmem_shared>>
      %dma_wait3A_42 = arith.constant 0 : i32
      %dma_wait3A_43 = arith.constant 0 : i32
      %dma_wait3A_44 = tpu.memref_slice %arg8[%dma_wait3A_42, %dma_wait3A_43] : memref<128x128xf32, #tpu.memory_space<vmem>> -> memref<120x128xf32, #tpu.memory_space<vmem>>
      tpu.wait_dma2 semaphore(%run_scoped3A : memref<!tpu.dma_semaphore, #tpu.memory_space<semaphore_mem>>) src(%dma_wait3A_44 : memref<120x128xf32, #tpu.memory_space<vmem>>) dst(%dma_wait3A_41 : memref<120x128xf32, #tpu.memory_space<vmem_shared>>)
      tpu.yield
    }) : () -> ()
    %barrier3A = arith.constant 0 : index
    tpu.barrier barrier_id(%barrier3A)
    %mul3A_18 = arith.constant 10112 : i32
    %mul3A_19 = arith.muli %add3A, %mul3A_18 : i32
    %scan3A_20 = arith.constant 0 : i32
    %scan3A_21 = arith.constant 0 : i32
    %scan3A_22 = arith.constant 79 : i32
    %scan3A_23 = arith.addi %scan3A_21, %scan3A_22 : i32
    %scan3A_24 = arith.constant 1 : i32
    scf.for %scan3A_27 = %scan3A_21 to %scan3A_23 step %scan3A_24  : i32 {
      %mul3A_28 = arith.constant 128 : i32
      %mul3A_29 = arith.muli %scan3A_27, %mul3A_28 : i32
      %add3A_30 = arith.addi %mul3A_19, %mul3A_29 : i32
      "tpu.region"() ({
        %run_scoped3A = tpu.sem_alloc : memref<!tpu.dma_semaphore, #tpu.memory_space<semaphore_mem>>
        %dma_start3A_38 = tpu.memref_slice %arg3[%add3A_30] : memref<323584xi32, #tpu.memory_space<hbm>> -> memref<128xi32, #tpu.memory_space<hbm>>
        %dma_start3A_39 = tpu.memref_slice %arg3[%add3A_30] : memref<323584xi32, #tpu.memory_space<hbm>> -> memref<128xi32, #tpu.memory_space<hbm>>
        tpu.enqueue_dma source(%dma_start3A_39 : memref<128xi32, #tpu.memory_space<hbm>>) target(%arg6 : memref<128xi32, #tpu.memory_space<vmem>>) target_semaphore(%run_scoped3A : memref<!tpu.dma_semaphore, #tpu.memory_space<semaphore_mem>>)
        %dma_wait3A_40 = tpu.memref_slice %arg3[%add3A_30] : memref<323584xi32, #tpu.memory_space<hbm>> -> memref<128xi32, #tpu.memory_space<hbm>>
        %dma_wait3A_41 = tpu.memref_slice %arg3[%add3A_30] : memref<323584xi32, #tpu.memory_space<hbm>> -> memref<128xi32, #tpu.memory_space<hbm>>
        tpu.wait_dma2 semaphore(%run_scoped3A : memref<!tpu.dma_semaphore, #tpu.memory_space<semaphore_mem>>) src(%dma_wait3A_41 : memref<128xi32, #tpu.memory_space<hbm>>) dst(%arg6 : memref<128xi32, #tpu.memory_space<vmem>>)
        tpu.yield
      }) : () -> ()
      %mul3A_31 = arith.constant 128 : i32
      %mul3A_32 = arith.muli %scan3A_27, %mul3A_31 : i32
      %add3A_33 = arith.addi %mul3A_19, %mul3A_32 : i32
      "tpu.region"() ({
        %run_scoped3A = tpu.sem_alloc : memref<!tpu.dma_semaphore, #tpu.memory_space<semaphore_mem>>
        %dma_start3A_38 = tpu.memref_slice %arg4[%add3A_33] : memref<323584xi32, #tpu.memory_space<hbm>> -> memref<128xi32, #tpu.memory_space<hbm>>
        %dma_start3A_39 = tpu.memref_slice %arg4[%add3A_33] : memref<323584xi32, #tpu.memory_space<hbm>> -> memref<128xi32, #tpu.memory_space<hbm>>
        tpu.enqueue_dma source(%dma_start3A_39 : memref<128xi32, #tpu.memory_space<hbm>>) target(%arg7 : memref<128xi32, #tpu.memory_space<vmem>>) target_semaphore(%run_scoped3A : memref<!tpu.dma_semaphore, #tpu.memory_space<semaphore_mem>>)
        %dma_wait3A_40 = tpu.memref_slice %arg4[%add3A_33] : memref<323584xi32, #tpu.memory_space<hbm>> -> memref<128xi32, #tpu.memory_space<hbm>>
        %dma_wait3A_41 = tpu.memref_slice %arg4[%add3A_33] : memref<323584xi32, #tpu.memory_space<hbm>> -> memref<128xi32, #tpu.memory_space<hbm>>
        tpu.wait_dma2 semaphore(%run_scoped3A : memref<!tpu.dma_semaphore, #tpu.memory_space<semaphore_mem>>) src(%dma_wait3A_41 : memref<128xi32, #tpu.memory_space<hbm>>) dst(%arg7 : memref<128xi32, #tpu.memory_space<vmem>>)
        tpu.yield
      }) : () -> ()
      %dma_start3A = arith.constant 0 : i32
      %dma_start3A_34 = arith.constant 0 : i32
      %dma_start3A_35 = tpu.memref_slice %arg2[%dma_start3A, %dma_start3A_34] : memref<10000x128xf32, #tpu.memory_space<hbm>> -> memref<10000x128xf32, #tpu.memory_space<hbm>>
      tpu.enqueue_indirect_dma source(%dma_start3A_35 : memref<10000x128xf32, #tpu.memory_space<hbm>>) target(%arg8 : memref<128x128xf32, #tpu.memory_space<vmem>>) offsets(%arg6 : memref<128xi32, #tpu.memory_space<vmem>>) semaphore(%arg10 : memref<!tpu.dma_semaphore, #tpu.memory_space<semaphore_mem>>)
      %dma_wait3A = arith.constant 0 : i32
      %dma_wait3A_36 = arith.constant 0 : i32
      %dma_wait3A_37 = tpu.memref_slice %arg2[%dma_wait3A, %dma_wait3A_36] : memref<10000x128xf32, #tpu.memory_space<hbm>> -> memref<10000x128xf32, #tpu.memory_space<hbm>>
      tpu.wait_indirect_dma semaphore(%arg10 : memref<!tpu.dma_semaphore, #tpu.memory_space<semaphore_mem>>) src(%dma_wait3A_37 : memref<10000x128xf32, #tpu.memory_space<hbm>>) dst(%arg8 : memref<128x128xf32, #tpu.memory_space<vmem>>)
      "tpu.region"() ({
        %run_scoped3A = tpu.sem_alloc : memref<!tpu.dma_semaphore, #tpu.memory_space<semaphore_mem>>
        %dma_start3A_38 = arith.constant 0 : i32
        %dma_start3A_39 = arith.constant 0 : i32
        %dma_start3A_40 = tpu.memref_slice %arg9[%dma_start3A_38, %dma_start3A_39] : memref<10112x128xf32, #tpu.memory_space<vmem_shared>> -> memref<10112x128xf32, #tpu.memory_space<vmem_shared>>
        tpu.enqueue_indirect_dma source(%arg8 : memref<128x128xf32, #tpu.memory_space<vmem>>) target(%dma_start3A_40 : memref<10112x128xf32, #tpu.memory_space<vmem_shared>>) offsets(%arg7 : memref<128xi32, #tpu.memory_space<vmem>>) semaphore(%run_scoped3A : memref<!tpu.dma_semaphore, #tpu.memory_space<semaphore_mem>>) {add = true}
        %dma_wait3A_41 = arith.constant 0 : i32
        %dma_wait3A_42 = arith.constant 0 : i32
        %dma_wait3A_43 = tpu.memref_slice %arg9[%dma_wait3A_41, %dma_wait3A_42] : memref<10112x128xf32, #tpu.memory_space<vmem_shared>> -> memref<10112x128xf32, #tpu.memory_space<vmem_shared>>
        tpu.wait_indirect_dma semaphore(%run_scoped3A : memref<!tpu.dma_semaphore, #tpu.memory_space<semaphore_mem>>) src(%arg8 : memref<128x128xf32, #tpu.memory_space<vmem>>) dst(%dma_wait3A_43 : memref<10112x128xf32, #tpu.memory_space<vmem_shared>>)
        tpu.yield
      }) : () -> ()
    }
    %scan3A_25 = arith.constant 79 : i32
    %barrier3A_26 = arith.constant 0 : index
    tpu.barrier barrier_id(%barrier3A_26)
    "tpu.region"() ({
      %run_scoped3A = tpu.sem_alloc : memref<!tpu.dma_semaphore, #tpu.memory_space<semaphore_mem>>
      %dma_start3A = arith.constant 0 : i32
      %dma_start3A_27 = tpu.memref_slice %arg5[%arg0, %mul3A_7, %dma_start3A] : memref<2x10112x128xf32, #tpu.memory_space<hbm>> -> memref<1x632x128xf32, #tpu.memory_space<hbm>>
      %dma_start3A_28 = tpu.memref_squeeze %dma_start3A_27 : memref<1x632x128xf32, #tpu.memory_space<hbm>> -> memref<632x128xf32, #tpu.memory_space<hbm>>
      %dma_start3A_29 = arith.constant 0 : i32
      %dma_start3A_30 = tpu.memref_slice %arg9[%mul3A_7, %dma_start3A_29] : memref<10112x128xf32, #tpu.memory_space<vmem_shared>> -> memref<632x128xf32, #tpu.memory_space<vmem_shared>>
      tpu.enqueue_dma source(%dma_start3A_30 : memref<632x128xf32, #tpu.memory_space<vmem_shared>>) target(%dma_start3A_28 : memref<632x128xf32, #tpu.memory_space<hbm>>) target_semaphore(%run_scoped3A : memref<!tpu.dma_semaphore, #tpu.memory_space<semaphore_mem>>)
      %dma_wait3A = arith.constant 0 : i32
      %dma_wait3A_31 = tpu.memref_slice %arg5[%arg0, %mul3A_7, %dma_wait3A] : memref<2x10112x128xf32, #tpu.memory_space<hbm>> -> memref<1x632x128xf32, #tpu.memory_space<hbm>>
      %dma_wait3A_32 = tpu.memref_squeeze %dma_wait3A_31 : memref<1x632x128xf32, #tpu.memory_space<hbm>> -> memref<632x128xf32, #tpu.memory_space<hbm>>
      %dma_wait3A_33 = arith.constant 0 : i32
      %dma_wait3A_34 = tpu.memref_slice %arg9[%mul3A_7, %dma_wait3A_33] : memref<10112x128xf32, #tpu.memory_space<vmem_shared>> -> memref<632x128xf32, #tpu.memory_space<vmem_shared>>
      tpu.wait_dma2 semaphore(%run_scoped3A : memref<!tpu.dma_semaphore, #tpu.memory_space<semaphore_mem>>) src(%dma_wait3A_34 : memref<632x128xf32, #tpu.memory_space<vmem_shared>>) dst(%dma_wait3A_32 : memref<632x128xf32, #tpu.memory_space<hbm>>)
      tpu.yield
    }) : () -> ()
    return
  }
}

module attributes {stable_mosaic.version = 14 : i64} {
  func.func @body(%arg0: i32, %arg1: memref<2x1000x128xf32, #tpu.memory_space<vmem>>, %arg2: memref<2x1000x128xf32, #tpu.memory_space<vmem>>, %arg3: memref<1000x128xf32, #tpu.memory_space<vmem>>, %arg4: memref<128x128xf32, #tpu.memory_space<vmem>>, %arg5: memref<128x128xf32, #tpu.memory_space<vmem>>, %arg6: memref<1x128xf32, #tpu.memory_space<vmem>>, %arg7: memref<1000x128xf32, #tpu.memory_space<vmem>>) attributes {dimension_semantics = [#tpu.dimension_semantics<arbitrary>], iteration_bounds = array<i64: 10>, scalar_prefetch = 0 : i64, scratch_operands = 0 : i64, tpu.core_type = #tpu.core_type<tc>, window_params = [{transform_indices = @transform_0, window_bounds = array<i64: 2, 1000, 128>}, {transform_indices = @transform_1, window_bounds = array<i64: 2, 1000, 128>}, {transform_indices = @transform_2, window_bounds = array<i64: 1000, 128>}, {pipeline_mode = #tpu.pipeline_mode<synchronous>, transform_indices = @transform_3, window_bounds = array<i64: 128, 128>}, {pipeline_mode = #tpu.pipeline_mode<synchronous>, transform_indices = @transform_4, window_bounds = array<i64: 128, 128>}, {pipeline_mode = #tpu.pipeline_mode<synchronous>, transform_indices = @transform_5, window_bounds = array<i64: 1, 128>}, {transform_indices = @transform_6, window_bounds = array<i64: 1000, 128>}]} {
    %get3A = arith.constant 0 : index
    %get3A_0 = arith.constant 0 : index
    %get3A_1 = arith.constant 0 : index
    %get3A_2 = vector.load %arg1[%get3A, %get3A_0, %get3A_1] : memref<2x1000x128xf32, #tpu.memory_space<vmem>>, vector<1x1000x128xf32>
    %get3A_3 = vector.shape_cast %get3A_2 : vector<1x1000x128xf32> to vector<1000x128xf32>
    %get3A_4 = arith.constant 1 : index
    %get3A_5 = arith.constant 0 : index
    %get3A_6 = arith.constant 0 : index
    %get3A_7 = vector.load %arg1[%get3A_4, %get3A_5, %get3A_6] : memref<2x1000x128xf32, #tpu.memory_space<vmem>>, vector<1x1000x128xf32>
    %get3A_8 = vector.shape_cast %get3A_7 : vector<1x1000x128xf32> to vector<1000x128xf32>
    %add3A = arith.addf %get3A_3, %get3A_8 : vector<1000x128xf32>
    %get3A_9 = arith.constant 0 : index
    %get3A_10 = arith.constant 0 : index
    %get3A_11 = arith.constant 0 : index
    %get3A_12 = vector.load %arg2[%get3A_9, %get3A_10, %get3A_11] : memref<2x1000x128xf32, #tpu.memory_space<vmem>>, vector<1x1000x1xf32>
    %get3A_13 = vector.shape_cast %get3A_12 : vector<1x1000x1xf32> to vector<1000xf32>
    %get3A_14 = arith.constant 1 : index
    %get3A_15 = arith.constant 0 : index
    %get3A_16 = arith.constant 0 : index
    %get3A_17 = vector.load %arg2[%get3A_14, %get3A_15, %get3A_16] : memref<2x1000x128xf32, #tpu.memory_space<vmem>>, vector<1x1000x1xf32>
    %get3A_18 = vector.shape_cast %get3A_17 : vector<1x1000x1xf32> to vector<1000xf32>
    %add3A_19 = arith.addf %get3A_13, %get3A_18 : vector<1000xf32>
    %max3A = arith.constant 1.000000e+00 : f32
    %max3A_20 = vector.broadcast %max3A : f32 to vector<1000xf32>
    %max3A_21 = arith.maximumf %add3A_19, %max3A_20 : vector<1000xf32>
    %broadcast_in_dim3A = vector.shape_cast %max3A_21 : vector<1000xf32> to vector<1000x1xf32>
    %div3A = vector.broadcast %broadcast_in_dim3A : vector<1000x1xf32> to vector<1000x128xf32>
    %div3A_22 = arith.divf %add3A, %div3A : vector<1000x128xf32>
    %get3A_23 = arith.constant 0 : index
    %get3A_24 = arith.constant 0 : index
    %get3A_25 = vector.load %arg5[%get3A_23, %get3A_24] : memref<128x128xf32, #tpu.memory_space<vmem>>, vector<128x128xf32>
    %dot_general3A = arith.constant dense<0.000000e+00> : vector<1000x128xf32>
    %dot_general3A_26 = tpu.matmul %div3A_22, %get3A_25, %dot_general3A {dimension_numbers = #tpu.dot_dimension_numbers<[1], [0], [0], [1], [0, 0, 1, 1], [], []>, transpose_lhs_hint = false} : vector<1000x128xf32>, vector<128x128xf32>, vector<1000x128xf32> -> vector<1000x128xf32>
    %get3A_27 = arith.constant 0 : index
    %get3A_28 = arith.constant 0 : index
    %get3A_29 = vector.load %arg3[%get3A_27, %get3A_28] : memref<1000x128xf32, #tpu.memory_space<vmem>>, vector<1000x128xf32>
    %get3A_30 = arith.constant 0 : index
    %get3A_31 = arith.constant 0 : index
    %get3A_32 = vector.load %arg4[%get3A_30, %get3A_31] : memref<128x128xf32, #tpu.memory_space<vmem>>, vector<128x128xf32>
    %dot_general3A_33 = arith.constant dense<0.000000e+00> : vector<1000x128xf32>
    %dot_general3A_34 = tpu.matmul %get3A_29, %get3A_32, %dot_general3A_33 {dimension_numbers = #tpu.dot_dimension_numbers<[1], [0], [0], [1], [0, 0, 1, 1], [], []>, transpose_lhs_hint = false} : vector<1000x128xf32>, vector<128x128xf32>, vector<1000x128xf32> -> vector<1000x128xf32>
    %add3A_35 = arith.addf %dot_general3A_26, %dot_general3A_34 : vector<1000x128xf32>
    %get3A_36 = arith.constant 0 : index
    %get3A_37 = arith.constant 0 : index
    %get3A_38 = vector.load %arg6[%get3A_36, %get3A_37] : memref<1x128xf32, #tpu.memory_space<vmem>>, vector<1x128xf32>
    %add3A_39 = vector.broadcast %get3A_38 : vector<1x128xf32> to vector<1000x128xf32>
    %add3A_40 = arith.addf %add3A_35, %add3A_39 : vector<1000x128xf32>
    %max3A_41 = arith.constant 0.000000e+00 : f32
    %max3A_42 = vector.broadcast %max3A_41 : f32 to vector<1000x128xf32>
    %max3A_43 = arith.maximumf %add3A_40, %max3A_42 : vector<1000x128xf32>
    %swap3A = arith.constant 0 : index
    %swap3A_44 = arith.constant 0 : index
    %swap3A_45 = vector.load %arg7[%swap3A, %swap3A_44] : memref<1000x128xf32, #tpu.memory_space<vmem>>, vector<1000x128xf32>
    tpu.vector_store %arg7[%swap3A, %swap3A_44], %max3A_43 {strides = array<i32>} : memref<1000x128xf32, #tpu.memory_space<vmem>>, vector<1000x128xf32>,
    return
  }
  func.func @transform_0(%arg0: i32) -> (i32, i32, i32) {
    %c0_i32 = arith.constant 0 : i32
    %c0_i32_0 = arith.constant 0 : i32
    %c0_i32_1 = arith.constant 0 : i32
    return %c0_i32, %arg0, %c0_i32_0 : i32, i32, i32
  }
  func.func @transform_1(%arg0: i32) -> (i32, i32, i32) {
    %c0_i32 = arith.constant 0 : i32
    %c0_i32_0 = arith.constant 0 : i32
    %c0_i32_1 = arith.constant 0 : i32
    return %c0_i32, %arg0, %c0_i32_0 : i32, i32, i32
  }
  func.func @transform_2(%arg0: i32) -> (i32, i32) {
    %c0_i32 = arith.constant 0 : i32
    %c0_i32_0 = arith.constant 0 : i32
    return %arg0, %c0_i32 : i32, i32
  }
  func.func @transform_3(%arg0: i32) -> (i32, i32) {
    %c0_i32 = arith.constant 0 : i32
    %c0_i32_0 = arith.constant 0 : i32
    %c0_i32_1 = arith.constant 0 : i32
    return %c0_i32, %c0_i32_0 : i32, i32
  }
  func.func @transform_4(%arg0: i32) -> (i32, i32) {
    %c0_i32 = arith.constant 0 : i32
    %c0_i32_0 = arith.constant 0 : i32
    %c0_i32_1 = arith.constant 0 : i32
    return %c0_i32, %c0_i32_0 : i32, i32
  }
  func.func @transform_5(%arg0: i32) -> (i32, i32) {
    %c0_i32 = arith.constant 0 : i32
    %c0_i32_0 = arith.constant 0 : i32
    %c0_i32_1 = arith.constant 0 : i32
    return %c0_i32, %c0_i32_0 : i32, i32
  }
  func.func @transform_6(%arg0: i32) -> (i32, i32) {
    %c0_i32 = arith.constant 0 : i32
    %c0_i32_0 = arith.constant 0 : i32
    return %arg0, %c0_i32 : i32, i32
  }
}

</mosaic_0001>

<sc_bundles>
// kernel: kernel.5.cloned.1.call-start
scs
__scs_entry_jumppad:
0x0: {  	(pc) =	sbr.rel $0x88, $3  }
0x1: {  	(tag) =	ssettag $0x0;
	lr =	simm.s32 $0x1  }
0x2: {  	[smem:$0x3F9C] =	sst lr;
	_ =	strace $0xD0000000  }
0x3: {  	_ = 	snop  }
0x4: {  	_ = 	snop  }
0x5: {  	_ = 	snop  }
0x6: {  	_ = 	snop  }
0x7: {  	_ = 	snop  }
__scs_overlays_trampoline_lowered:
0x8: {  	[smem:$0x3FAB] =	sst s0  }
0x9: {  	[smem:$0x3FAC] =	sst s1  }
0xa: {  	[smem:$0x3FAD] =	sst s2  }
0xb: {  	[smem:$0x3FAE] =	sst s3  }
0xc: {  	[smem:$0x3FAF] =	sst s4  }
0xd: {  	[smem:$0x3FB0] =	sst s5  }
0xe: {  	[smem:$0x3FB1] =	sst s6  }
0xf: {  	[smem:$0x3FB2] =	sst s7  }
0x10: {  	[smem:$0x3FB3] =	sst s8  }
0x11: {  	[smem:$0x3FB4] =	sst s9;
	s0 =	simm.s32 @!p0 $0x0  }
0x12: {  	s1 =	sld [smem:$0x3F9A];
	s0 =	simm.s32 @p0 $0x1  }
0x13: {  	[smem:$0x3FB5] =	sst s0;
	s0 =	simm.s32 @!p1 $0x0  }
0x14: {  	s2 =	sld [smem:$0x3F99];
	s0 =	simm.s32 @p1 $0x1  }
0x15: {  	[smem:$0x3FB6] =	sst s0;
	s0 =	simm.s32 @!p2 $0x0  }
0x16: {  	s3 =	sld [smem:$0x3FDB];
	s0 =	simm.s32 @p2 $0x1  }
0x17: {  	s4 =	simm.s32 $0x1BF5;
	[smem:$0x3FB8] =	sst s0  }
0x18: {  	s0 =	sld [smem:$0x3F9B];
	_ =	swait.ge [sflag:s4], $0x0  }
0x19: {  	s7 =	sld [smem:$0x3F9C]  }
0x1a: {  	s8 =	sadd.s32 $0xFFFFE003, lr  }
0x1b: {  	s9 =	sadd.s32 $0xFFFFFEF7, lr;
	s5 =	simm.s32 $0xFFFFFFFF;
	p2 =	slt.u32 s8, $0xFFFFF086  }
0x1c: {  	p1 =	slt.u32 s9, $0xF7A;
	s5 =	simm.s32 @!p2 $0x0  }
0x1d: {  	s5 =	simm.s32 @p1 $0x1;
	p0 =	seq.s32 s7, s2  }
0x1e: {  	s7 =	smul.u32 @!p0 $0xF7A, s2;
	p2 =	seq.s32 @!p0 s5, $0x0  }
0x1f: {  	s9 =	smul.u32 $0xF7A, s1;
	s8 =	simm.s32 @!p0 $0x1BF5;
	p2 =	por !p2, p0  }
0x20: {  	[sflag:s8] =	ssyncset.s32 @!p0 $0xFFFFF086;
	s6 =	sadd.s32 @!p0 s3, s7;
	s7 =	simm.s32 @!p0 $0x108  }
0x21: {  	s3 =	sadd.s32 s3, s9;
	s6 =	sadd.s32 @!p0 $0x88, s6;
	s7 =	simm.s32 @p2 $0x1082  }
0x22: {  	[simem:s7], [sflag:s8] =	dma.local @!p0 [hbm:s6], $0xF7A  }
0x23: {  	s9 =	sor.u32 $0xD0000000, s2;
	s6 =	simm.s32 $0x108;
	_ =	swait.ge @!p0 [sflag:s8], $0x0  }
0x24: {  	s3 =	sadd.s32 $0x88, s3;
	s6 =	simm.s32 @!p1 $0x1082;
	[sflag:s4] =	ssyncset.s32 $0xFFFFF086  }
0x25: {  	[simem:s6], [sflag:s4] =	dma.local [hbm:s3], $0xF7A  }
0x26: {  	[smem:$0x3F9C] =	sst s1;
	(tag) =	ssettag s2;
	_ =	strace s9  }
0x27: {  	s1 =	sld [smem:$0x3FAC]  }
0x28: {  	s2 =	sld [smem:$0x3FAD]  }
0x29: {  	s4 =	sld [smem:$0x3FAF]  }
0x2a: {  	p0 =	seq.s32 s5, $0x0;
	s5 =	sld [smem:$0x3FB0]  }
0x2b: {  	s6 =	sld [smem:$0x3FB1]  }
0x2c: {  	s7 =	sld [smem:$0x3FB2]  }
0x2d: {  	s3 =	simm.s32 $0x108;
	s8 =	sld [smem:$0x3FB3]  }
0x2e: {  	s3 =	simm.s32 @!p0 $0x1082;
	s9 =	sld [smem:$0x3FB4]  }
0x2f: {  	lr =	sadd.s32 s0, s3;
	s0 =	sld [smem:$0x3FAB]  }
0x30: {  	s3 =	sld [smem:$0x3FAE]  }
0x31: {  	[smem:$0x3FB7] =	sst s10  }
0x32: {  	s10 =	sld [smem:$0x3FB5];
	_ =	sdelay $0x3  }
0x33: {  	p0 =	seq.s32 s10, $0x1;
	s10 =	sld [smem:$0x3FB7];
	_ =	sdelay $0x3  }
0x34: {  	[smem:$0x3FB7] =	sst s10  }
0x35: {  	s10 =	sld [smem:$0x3FB6];
	_ =	sdelay $0x3  }
0x36: {  	p1 =	seq.s32 s10, $0x1;
	s10 =	sld [smem:$0x3FB7];
	_ =	sdelay $0x3  }
0x37: {  	[smem:$0x3FB7] =	sst s10  }
0x38: {  	s10 =	sld [smem:$0x3FB8]  }
0x39: {  	_ = 	snop;
	(pc) =	sbr.ind lr, $3  }
0x3a: {  	_ = 	snop  }
0x3b: {  	_ = 	snop  }
0x3c: {  	p2 =	seq.s32 s10, $0x1;
	s10 =	sld [smem:$0x3FB7]  }
0x3d: {  	_ =	shalt  }
0x3e: {  	_ =	shalt  }
0x3f: {  	_ =	shalt  }
0x40: {  	_ =	shalt  }
0x41: {  	_ =	shalt  }
0x42: {  	_ =	shalt  }
0x43: {  	_ =	shalt  }
0x44: {  	_ =	shalt  }
0x45: {  	_ =	shalt  }
0x46: {  	_ =	shalt  }
0x47: {  	_ =	shalt  }
0x48: {  	_ =	shalt  }
0x49: {  	_ =	shalt  }
0x4a: {  	_ =	shalt  }
0x4b: {  	_ =	shalt  }
0x4c: {  	_ =	shalt  }
0x4d: {  	_ =	shalt  }
0x4e: {  	_ =	shalt  }
0x4f: {  	_ =	shalt  }
0x50: {  	_ =	shalt  }
0x51: {  	_ =	shalt  }
0x52: {  	_ =	shalt  }
0x53: {  	_ =	shalt  }
0x54: {  	_ =	shalt  }
0x55: {  	_ =	shalt  }
0x56: {  	_ =	shalt  }
0x57: {  	_ =	shalt  }
0x58: {  	_ =	shalt  }
0x59: {  	_ =	shalt  }
0x5a: {  	_ =	shalt  }
0x5b: {  	_ =	shalt  }
0x5c: {  	_ =	shalt  }
0x5d: {  	_ =	shalt  }
0x5e: {  	_ =	shalt  }
0x5f: {  	_ =	shalt  }
0x60: {  	_ =	shalt  }
0x61: {  	_ =	shalt  }
0x62: {  	_ =	shalt  }
0x63: {  	_ =	shalt  }
0x64: {  	_ =	shalt  }
0x65: {  	_ =	shalt  }
0x66: {  	_ =	shalt  }
0x67: {  	_ =	shalt  }
0x68: {  	_ =	shalt  }
0x69: {  	_ =	shalt  }
0x6a: {  	_ =	shalt  }
0x6b: {  	_ =	shalt  }
0x6c: {  	_ =	shalt  }
0x6d: {  	_ =	shalt  }
0x6e: {  	_ =	shalt  }
0x6f: {  	_ =	shalt  }
0x70: {  	_ =	shalt  }
0x71: {  	_ =	shalt  }
0x72: {  	_ =	shalt  }
0x73: {  	_ =	shalt  }
0x74: {  	_ =	shalt  }
0x75: {  	_ =	shalt  }
0x76: {  	_ =	shalt  }
0x77: {  	_ =	shalt  }
0x78: {  	_ =	shalt  }
0x79: {  	_ =	shalt  }
0x7a: {  	_ =	shalt  }
0x7b: {  	_ =	shalt  }
0x7c: {  	_ =	shalt  }
0x7d: {  	_ =	shalt  }
0x7e: {  	_ =	shalt  }
0x7f: {  	_ =	shalt  }
0x80: {  	_ =	shalt  }
0x81: {  	_ =	shalt  }
0x82: {  	_ =	shalt  }
0x83: {  	_ =	shalt  }
0x84: {  	_ =	shalt  }
0x85: {  	_ =	shalt  }
0x86: {  	_ =	shalt  }
0x87: {  	_ =	shalt  }
.Lfunc_end0:
.L_simem_size_0:
called_computation_lowered:
.L_overlay_start_0:
0x88: {  	s2 =	sld [smem:$0x3FD9]  }
0x89: {  	s3 =	sld [smem:$0x3FFE];
	_ =	sdelay $0x1  }
0x8a: {  	s1 =	srdreg.scid  }
0x8b: {  	s0 =	sand.u32 $0x1, s1  }
0x8c: {  	s17 =	sshll.u32 s0, $0xA;
	s2 =	sadd.s32 s3, s2  }
0x8d: {  	s2 =	sadd.s32 s2, s17  }
0x8e: {  	[smem:$0x3FC3] =	sst s2  }
0x8f: {  	_ = 	snop  }
0x90: {  	s2 =	sld [smem:$0x3FC9]  }
0x91: {  	s18 =	sld [smem:$0x3FD0];
	(tm) =	ssettm $0x1  }
0x92: {  	s4 =	sld [smem:$0x3FFB];
	_ =	sdelay $0x3  }
0x93: {  	_ =	strace s4  }
0x94: {  	s4 =	sld [smem:$0x3FFC];
	_ =	sdelay $0x3  }
0x95: {  	_ =	strace s4  }
0x96: {  	s4 =	sld [smem:$0x3FFD];
	_ =	sdelay $0x3  }
0x97: {  	_ =	strace s4  }
0x98: {  	_ =	strace $0x8FFFFFFF  }
0x99: {  	s19 =	sld [smem:$0x3FDB];
	_ =	sdelay $0x1  }
0x9a: {  	s5 =	simm.s32 $_scs_section_size  }
0x9b: {  	s6 =	simm.s32 $_size__tile_overlayer_lowered;
	s7 =	simm.s32 $_tile_overlayer_lowered  }
0x9c: {  	s22 =	simm.s32 $0x1BFF;
	s21 =	sshll.u32 s7, $0x1;
	s4 =	sadd.s32 s5, s19  }
0x9d: {  	s8 =	simm.s32 $0x0;
	s20 =	sshll.u32 s6, $0x1;
	s6 =	sadd.s32 s21, s4  }
0x9e: {  	[timem:s8], [sflag:s22] =	dma.local [hbm:s6], s20  }
0x9f: {  	_ =	swait.ge [sflag:s22], s20  }
0xa0: {  	s5 =	ssub.s32 $0x0, s20;
	[sflag:s22] =	ssyncset.done $0x0  }
0xa1: {  	[sflag:s22] =	ssyncadd.s32 s5;
	_ =	sdelay $0x1  }
0xa2: {  	s23 =	simm.s32 $0x1B8B  }
0xa3: {  	_ =	swait.ge [sflag:s23], $0x1  }
0xa4: {  	[sflag:s23] =	ssyncset.done $0x0  }
0xa5: {  	s25 =	simm.s32 $0x1B8E;
	s24 =	sld [smem:$0x3FFE];
	[sflag:s23] =	ssyncadd.s32 $0xFFFFFFFF  }
0xa6: {  	s26 =	simm.s32 $execute0_lowered;
	[smem:$0x3FD2] =	sst s25  }
0xa7: {  	s6 =	sshll.u32 s26, $0x1;
	_ =	strace $0x80000046;
	[dreg:$0x1] =	wrdreg $0xFFFFFFFF  }
0xa8: {  	s28 =	simm.s32 $_size_execute0_lowered;
	s4 =	sadd.s32 s4, s6;
	[dreg:$0x0] =	wrdreg $0x0  }
0xa9: {  	s6 =	sshll.u32 s28, $0x1;
	[dreg:$0x2] =	wrdreg s4  }
0xaa: {  	[dreg:$0x3] =	wrdreg s6  }
0xab: {  	[dreg:$0x4] =	wrdreg $0xC0  }
0xac: {  	_ =	task [dreg:s8], $0x5FFFF  }
0xad: {  	[dreg:$0x1] =	wrdreg $0xFFFFFFFF  }
0xae: {  	[dreg:$0x0] =	wrdreg $0x60  }
0xaf: {  	[dreg:$0x2] =	wrdreg s2  }
0xb0: {  	[dreg:$0x3] =	wrdreg s18  }
0xb1: {  	[dreg:$0x4] =	wrdreg s24  }
0xb2: {  	[dreg:$0x5] =	wrdreg $0x41000  }
0xb3: {  	[dreg:$0x6] =	wrdreg $0x9  }
0xb4: {  	_ =	task.clear_ibuf [dreg:s8], $0x7FFFF;
	_ =	strace $0x90000046  }
0xb5: {  	s29 =	simm.s32 $0x9;
	_ =	strace $0x80000048  }
0xb6: {  	_ =	swait.ge [sflag:s29], $0x1  }
0xb7: {  	[sflag:s29] =	ssyncadd.s32 $0xFFFFFFFF  }
0xb8: {  	_ =	strace $0x90000048  }
0xb9: {  	_ =	sfence  }
0xba: {  	s30 =	sld [smem:$0x0];
	_ =	sdelay $0x2  }
0xbb: {  	s31 =	sshll.u32 s1, $0xD;
	s1 =	sshrl.u32 s1, $0x2  }
0xbc: {  	s3 =	sand.u32 $0x4000, s31;
	s1 =	sadd.s32 s1, s30  }
0xbd: {  	s0 =	sor.u32 s3, s0;
	s1 =	sshll.u32 s1, $0x11  }
0xbe: {  	s0 =	sor.u32 s1, s0  }
0xbf: {  	s0 =	sadd.s32 $0x8F2B, s0  }
0xc0: {  	[sflag:s0] =	ssyncadd.remote.s32 $0x1  }
0xc1: {  	_ =	sfence.sel $0xFFFF  }
0xc2: {  	[dreg:$0x0] =	wrdreg $0xFFFFFFFF;
	(pc) =	sbr.abs _section_cstart, $3  }
0xc3: {  	[dreg:$0x1] =	wrdreg $0xFFFFFFFF  }
0xc4: {  	_ =	task.clear_ibuf [dreg:s8], $0x2FFFF;
	_ =	strace $0x9FFFFFFF  }
0xc5: {  	(tm) =	ssettm $0x7FFFFFFF  }
tec
execute0_lowered:
.L_overlay_start_1:
0x0: {  	(tag) =	ssettag $0x1  }
0x1: {  	s0 =	rddreg [dreg:$0x0]  }
0x2: {  	s13 =	rddreg [dreg:$0x1]  }
0x3: {  	s5 =	rddreg [dreg:$0x2]  }
0x4: {  	s1 =	srdreg.scid;
	s2 =	stileid.u32  }
0x5: {  	s3 =	rddreg [dreg:$0x3];
	s8 =	smul.u32 $0x13C00, s2  }
0x6: {  	s4 =	simm.s32 $0x0;
	s17 =	simm.s32 $0x1;
	s29 =	smul.u32 $0x4F000, s2  }
0x7: {  	s6 =	sand.u32 $0x1, s1;
	s1 =	rddreg [dreg:$0x4];
	s15 =	smul.u32 $0x4F0, s2  }
0x8: {  	s20 =	simm.s32 $0x0;
	[smem:$0x7FF] =	sst s4;
	s7 =	smul.u32 $0x13C000, s6  }
0x9: {  	s18 =	sshll.u32 s2, $0x6;
	s14 =	smul.u32 $0x4F00, s6;
	s6 =	ssub.s32 $0x2, s6  }
0xa: {  	_ =	strace $0x80000047;
	s18 =	sor.u32 $0x1C02, s18;
	s30 =	sshrl.u32 s6, $0x1  }
0xb: {  	s31 =	sshrl.u32 s29, $0x2;
	s7 =	sadd.s32 s8, s7;
	s11 =	sadd.s32 s14, s5  }
0xc: {  	s12 =	ssub.s32 s6, s30;
	s13 =	sadd.s32 s14, s13;
	s14 =	simm.s32 $0x100  }
0xd: {  	s7 =	sshrl.u32 s7, $0x3;
	s16 =	sadd.s32 s15, s11;
	s11 =	smax.u32 s12, $0x1  }
0xe: {  	s13 =	sadd.s32 s15, s13;
	s15 =	simm.s32 $0x2;
	s10 =	sadd.s32 s7, s5  }
0xf: {  	s5 =	sadd.s32 s31, s3;
	s12 =	sadd.s32 $0x1000, s16;
	s16 =	simm.s32 $0x80  }
0x10: {  	s6 =	sadd.s32 $0x4000, s5;
	s7 =	sadd.s32 $0x8000, s5;
	s8 =	sadd.s32 $0xC000, s5  }
0x11: {  	v0 =	vimm.f32 $0.0e+00;
	s9 =	sadd.s32 $0x10000, s5;
	s10 =	sadd.s32 $0xAE00, s10;
	s19 =	sshrl.u32 s5, $0x3  }
.LBB2_1:
0x12: {  	s21 =	simm.s32 $0x0;
	s22 =	simm.s32 $0x200  }
.LBB2_2:
0x13: {  	p0 =	sne.s32 s22, $0xFE00;
	[tilespmem:s21+$0x170] =	vst v0  }
0x14: {  	[tilespmem:s21+$0x100] =	vst v0  }
0x15: {  	[tilespmem:s21+$0x110] =	vst v0  }
.Ltmp0:
0x16: {  	[tilespmem:s21+$0x120] =	vst v0;
	(pc) =	sbr.rel @p0 .LBB2_2-.Ltmp0, $4  }
0x17: {  	[tilespmem:s21+$0x130] =	vst v0  }
0x18: {  	[tilespmem:s21+$0x140] =	vst v0  }
0x19: {  	[tilespmem:s21+$0x150] =	vst v0  }
0x1a: {  	[tilespmem:s21+$0x160] =	vst v0;
	s21 =	sshra.s32 s22, $0x2;
	s22 =	sadd.s32 $0x200, s22  }
0x1b: {  	[tilespmem:s21+$0x170] =	vst v0  }
0x1c: {  	[tilespmem:s21+$0x100] =	vst v0  }
0x1d: {  	[tilespmem:s21+$0x110] =	vst v0  }
0x1e: {  	[tilespmem:s21+$0x120] =	vst v0  }
0x1f: {  	[tilespmem:s21+$0x130] =	vst v0  }
0x20: {  	[tilespmem:s21+$0x140] =	vst v0  }
0x21: {  	[tilespmem:s21+$0x150] =	vst v0  }
0x22: {  	[tilespmem:s21+$0x160] =	vst v0  }
0x23: {  	[spmem:s5] =	stream.linear.scatter [tilespmem:s14], [sflag:$0x2], $0x4000, $0x38;
	[tilespmem:$0x17D00] =	vst v63  }
0x24: {  	_ =	swait.ge [sflag:s15], $0x4000  }
0x25: {  	[sflag:s15] =	ssyncset.done $0x0  }
0x26: {  	[sflag:s15] =	ssyncadd.s32 $0xFFFFC000  }
0x27: {  	[spmem:s6] =	stream.linear.scatter [tilespmem:s14], [sflag:$0x2], $0x4000, $0x38;
	[tilespmem:$0x17D00] =	vst v63  }
0x28: {  	_ =	swait.ge [sflag:s15], $0x4000  }
0x29: {  	[sflag:s15] =	ssyncset.done $0x0  }
0x2a: {  	[sflag:s15] =	ssyncadd.s32 $0xFFFFC000  }
0x2b: {  	[spmem:s7] =	stream.linear.scatter [tilespmem:s14], [sflag:$0x2], $0x4000, $0x38;
	[tilespmem:$0x17D00] =	vst v63  }
0x2c: {  	_ =	swait.ge [sflag:s15], $0x4000  }
0x2d: {  	[sflag:s15] =	ssyncset.done $0x0  }
0x2e: {  	[sflag:s15] =	ssyncadd.s32 $0xFFFFC000  }
0x2f: {  	[spmem:s8] =	stream.linear.scatter [tilespmem:s14], [sflag:$0x2], $0x4000, $0x38;
	[tilespmem:$0x17D00] =	vst v63  }
0x30: {  	_ =	swait.ge [sflag:s15], $0x4000  }
0x31: {  	[sflag:s15] =	ssyncset.done $0x0  }
0x32: {  	[sflag:s15] =	ssyncadd.s32 $0xFFFFC000  }
0x33: {  	[spmem:s9] =	stream.linear.scatter [tilespmem:s14], [sflag:$0x2], $0x3C00, $0x38;
	[tilespmem:$0x17D00] =	vst v63  }
0x34: {  	_ =	swait.ge [sflag:s15], $0x3C00  }
0x35: {  	[sflag:s15] =	ssyncset.done $0x0  }
0x36: {  	[sflag:s15] =	ssyncadd.s32 $0xFFFFC400  }
0x37: {  	s30 =	sadd.s32 $0x0, s13;
	[bflag:$0x0] =	sbarrier.arrive $0xFFFF  }
0x38: {  	[tilespmem:s4], [sflag:$0x2] =	stream.linear.gather [hbm4b:s30+s4], $0x80, $0x38;
	[tilespmem:$0x17D00] =	vst v63  }
0x39: {  	_ =	swait.ge [sflag:s15], $0x80  }
0x3a: {  	[sflag:s15] =	ssyncset.done $0x0  }
0x3b: {  	s31 =	sadd.s32 $0x0, s12;
	[sflag:s15] =	ssyncadd.s32 $0xFFFFFF80  }
0x3c: {  	[tilespmem:s16], [sflag:$0x2] =	stream.linear.gather [hbm4b:s31+s4], $0x80, $0x38;
	[tilespmem:$0x17D00] =	vst v63  }
0x3d: {  	_ =	swait.ge [sflag:s15], $0x80  }
0x3e: {  	[sflag:s15] =	ssyncset.done $0x0  }
0x3f: {  	[sflag:s15] =	ssyncadd.s32 $0xFFFFFF80  }
0x40: {  	[tilespmem:s14], [sflag:$0x1] =	stream.indirect.gather [hbm4b:s0+s16], $0x80, s4, s16, $0xb8;
	[tilespmem:$0x17D00] =	vst v63  }
0x41: {  	_ =	swait.ge [sflag:s17], $0x4000  }
0x42: {  	[sflag:s17] =	ssyncset.done $0x0  }
0x43: {  	[sflag:s17] =	ssyncadd.s32 $0xFFFFC000  }
0x44: {  	[spmem:s3] =	stream.indirect.scatter.add.f32 [tilespmem:s14], [sflag:$0x2], $0x80, s16, s16, $0xb8;
	[tilespmem:$0x17D00] =	vst v63  }
0x45: {  	_ =	swait.ge [sflag:s15], $0x4000  }
0x46: {  	s21 =	simm.s32 $0x10;
	s22 =	simm.s32 $0x20;
	[sflag:s15] =	ssyncset.done $0x0  }
.LBB2_4:
0x47: {  	s23 =	sadd.s32 s21, s13  }
0x48: {  	[sflag:s15] =	ssyncadd.s32 $0xFFFFC000;
	s24 =	smov.u32 s22;
	s25 =	sadd.s32 $0x10, s22  }
0x49: {  	[tilespmem:s4], [sflag:$0x2] =	stream.linear.gather [hbm4b:s23+s4], $0x80, $0x38;
	[tilespmem:$0x17D00] =	vst v63  }
0x4a: {  	p0 =	sne.s32 s22, $0x4E0;
	_ =	swait.ge [sflag:s15], $0x80  }
0x4b: {  	[sflag:s15] =	ssyncset.done $0x0  }
0x4c: {  	s22 =	sadd.s32 s21, s12;
	s21 =	smov.u32 s24;
	[sflag:s15] =	ssyncadd.s32 $0xFFFFFF80  }
0x4d: {  	[tilespmem:s16], [sflag:$0x2] =	stream.linear.gather [hbm4b:s22+s4], $0x80, $0x38;
	[tilespmem:$0x17D00] =	vst v63  }
0x4e: {  	_ =	swait.ge [sflag:s15], $0x80  }
0x4f: {  	[sflag:s15] =	ssyncset.done $0x0  }
0x50: {  	[sflag:s15] =	ssyncadd.s32 $0xFFFFFF80  }
0x51: {  	[tilespmem:s14], [sflag:$0x1] =	stream.indirect.gather [hbm4b:s0+s16], $0x80, s4, s16, $0xb8;
	[tilespmem:$0x17D00] =	vst v63  }
0x52: {  	_ =	swait.ge [sflag:s17], $0x4000  }
.Ltmp1:
0x53: {  	[sflag:s17] =	ssyncset.done $0x0;
	(pc) =	sbr.rel @p0 .LBB2_4-.Ltmp1, $4  }
0x54: {  	[sflag:s17] =	ssyncadd.s32 $0xFFFFC000  }
0x55: {  	[spmem:s3] =	stream.indirect.scatter.add.f32 [tilespmem:s14], [sflag:$0x2], $0x80, s16, s16, $0xb8;
	[tilespmem:$0x17D00] =	vst v63  }
0x56: {  	_ =	swait.ge [sflag:s15], $0x4000  }
0x57: {  	s22 =	smov.u32 s25;
	[sflag:s15] =	ssyncset.done $0x0  }
0x58: {  	s22 =	sadd.s32 s21, s13;
	[sflag:s15] =	ssyncadd.s32 $0xFFFFC000  }
0x59: {  	[tilespmem:s4], [sflag:$0x2] =	stream.linear.gather [hbm4b:s22+s4], $0x80, $0x38;
	[tilespmem:$0x17D00] =	vst v63  }
0x5a: {  	_ =	swait.ge [sflag:s15], $0x80  }
0x5b: {  	[sflag:s15] =	ssyncset.done $0x0  }
0x5c: {  	s31 =	sadd.s32 s21, s12;
	[sflag:s15] =	ssyncadd.s32 $0xFFFFFF80  }
0x5d: {  	[tilespmem:s16], [sflag:$0x2] =	stream.linear.gather [hbm4b:s31+s4], $0x80, $0x38;
	[tilespmem:$0x17D00] =	vst v63  }
0x5e: {  	_ =	swait.ge [sflag:s15], $0x80  }
0x5f: {  	[sflag:s15] =	ssyncset.done $0x0  }
0x60: {  	[sflag:s15] =	ssyncadd.s32 $0xFFFFFF80  }
0x61: {  	[tilespmem:s14], [sflag:$0x1] =	stream.indirect.gather [hbm4b:s0+s16], $0x80, s4, s16, $0xb8;
	[tilespmem:$0x17D00] =	vst v63  }
0x62: {  	_ =	swait.ge [sflag:s17], $0x4000  }
0x63: {  	[sflag:s17] =	ssyncset.done $0x0  }
0x64: {  	[sflag:s17] =	ssyncadd.s32 $0xFFFFC000  }
0x65: {  	[spmem:s3] =	stream.indirect.scatter.add.f32 [tilespmem:s14], [sflag:$0x2], $0x80, s16, s16, $0xb8;
	[tilespmem:$0x17D00] =	vst v63  }
0x66: {  	_ =	swait.ge [sflag:s15], $0x4000  }
0x67: {  	s20 =	sadd.s32 $0x1, s20;
	[sflag:s15] =	ssyncset.done $0x0  }
0x68: {  	p0 =	sne.s32 s20, s11;
	[sflag:s15] =	ssyncadd.s32 $0xFFFFC000  }
.Ltmp2:
0x69: {  	[bflag:$0x0] =	sbarrier.arrive $0xFFFF;
	(pc) =	sbr.rel @p0 .LBB2_1-.Ltmp2, $4  }
0x6a: {  	[hbm:s10], [sflag:s18] =	dma.local [spmem:s19], $0x2780  }
0x6b: {  	_ =	swait.ge [sflag:s15], $0x2780  }
0x6c: {  	[sflag:s15] =	ssyncset.done $0x0  }
0x6d: {  	[sflag:s15] =	ssyncadd.s32 $0xFFFFD880  }
0x6e: {  	_ =	sfence.sel $0x180000  }
0x6f: {  	[bflag:$0x0] =	sbarrier.arrive $0xFFFF  }
0x70: {  	p0 =	sne.s32 s2, $0x0;
	_ =	strace $0x90000047  }
0x71: {  	s0 =	sadd.s32 @!p0 $0x100000, s1;
	[bflag:$0x2] =	sbarrier.arrive $0xFFFF  }
0x72: {  	[sflag:s0] =	ssyncadd.tile.s32 @!p0 $0x1;
	_ =	shalt  }
.Lfunc_end2:
_tile_overlayer_lowered:
.L_overlay_start_2:
0x73: {  	(tag) =	ssettag $0x2  }
0x74: {  	s0 =	rddreg [dreg:$0x0];
	s2 =	stileid.u32  }
0x75: {  	s1 =	rddreg [dreg:$0x1];
	p0 =	sne.s32 s2, $0x0  }
0x76: {  	s3 =	rddreg [dreg:$0x2];
	[bflag:$0x3] =	sbarrier.arrive $0xFFFF;
	s2 =	simm.s32 @!p0 $0x1C02  }
0x77: {  	[timem:s3], [sflag:s2] =	dma.local @!p0 [hbm:s0], s1  }
0x78: {  	s0 =	simm.s32 @!p0 $0x2  }
0x79: {  	_ =	swait.ge @!p0 [sflag:s0], s1  }
0x7a: {  	s1 =	ssub.s32 @!p0 $0x0, s1;
	[sflag:s0] =	ssyncset.done @!p0 $0x0  }
0x7b: {  	[sflag:s0] =	ssyncadd.s32 @!p0 s1  }
0x7c: {  	[bflag:$0x3] =	sbarrier.arrive $0xFFFF  }
0x7d: {  	_ =	shalt  }

// kernel: kernel.8.cloned.1.call-start
scs
__scs_entry_jumppad:
0x0: {  	(pc) =	sbr.rel $0x88, $3  }
0x1: {  	(tag) =	ssettag $0x0;
	lr =	simm.s32 $0x1  }
0x2: {  	[smem:$0x3F9C] =	sst lr;
	_ =	strace $0xD0000000  }
0x3: {  	_ = 	snop  }
0x4: {  	_ = 	snop  }
0x5: {  	_ = 	snop  }
0x6: {  	_ = 	snop  }
0x7: {  	_ = 	snop  }
__scs_overlays_trampoline_lowered:
0x8: {  	[smem:$0x3FAB] =	sst s0  }
0x9: {  	[smem:$0x3FAC] =	sst s1  }
0xa: {  	[smem:$0x3FAD] =	sst s2  }
0xb: {  	[smem:$0x3FAE] =	sst s3  }
0xc: {  	[smem:$0x3FAF] =	sst s4  }
0xd: {  	[smem:$0x3FB0] =	sst s5  }
0xe: {  	[smem:$0x3FB1] =	sst s6  }
0xf: {  	[smem:$0x3FB2] =	sst s7  }
0x10: {  	[smem:$0x3FB3] =	sst s8  }
0x11: {  	[smem:$0x3FB4] =	sst s9;
	s0 =	simm.s32 @!p0 $0x0  }
0x12: {  	s1 =	sld [smem:$0x3F9A];
	s0 =	simm.s32 @p0 $0x1  }
0x13: {  	[smem:$0x3FB5] =	sst s0;
	s0 =	simm.s32 @!p1 $0x0  }
0x14: {  	s2 =	sld [smem:$0x3F99];
	s0 =	simm.s32 @p1 $0x1  }
0x15: {  	[smem:$0x3FB6] =	sst s0;
	s0 =	simm.s32 @!p2 $0x0  }
0x16: {  	s3 =	sld [smem:$0x3FDB];
	s0 =	simm.s32 @p2 $0x1  }
0x17: {  	s4 =	simm.s32 $0x1BF5;
	[smem:$0x3FB8] =	sst s0  }
0x18: {  	s0 =	sld [smem:$0x3F9B];
	_ =	swait.ge [sflag:s4], $0x0  }
0x19: {  	s7 =	sld [smem:$0x3F9C]  }
0x1a: {  	s8 =	sadd.s32 $0xFFFFE003, lr  }
0x1b: {  	s9 =	sadd.s32 $0xFFFFFEF7, lr;
	s5 =	simm.s32 $0xFFFFFFFF;
	p2 =	slt.u32 s8, $0xFFFFF086  }
0x1c: {  	p1 =	slt.u32 s9, $0xF7A;
	s5 =	simm.s32 @!p2 $0x0  }
0x1d: {  	s5 =	simm.s32 @p1 $0x1;
	p0 =	seq.s32 s7, s2  }
0x1e: {  	s7 =	smul.u32 @!p0 $0xF7A, s2;
	p2 =	seq.s32 @!p0 s5, $0x0  }
0x1f: {  	s9 =	smul.u32 $0xF7A, s1;
	s8 =	simm.s32 @!p0 $0x1BF5;
	p2 =	por !p2, p0  }
0x20: {  	[sflag:s8] =	ssyncset.s32 @!p0 $0xFFFFF086;
	s6 =	sadd.s32 @!p0 s3, s7;
	s7 =	simm.s32 @!p0 $0x108  }
0x21: {  	s3 =	sadd.s32 s3, s9;
	s6 =	sadd.s32 @!p0 $0x88, s6;
	s7 =	simm.s32 @p2 $0x1082  }
0x22: {  	[simem:s7], [sflag:s8] =	dma.local @!p0 [hbm:s6], $0xF7A  }
0x23: {  	s9 =	sor.u32 $0xD0000000, s2;
	s6 =	simm.s32 $0x108;
	_ =	swait.ge @!p0 [sflag:s8], $0x0  }
0x24: {  	s3 =	sadd.s32 $0x88, s3;
	s6 =	simm.s32 @!p1 $0x1082;
	[sflag:s4] =	ssyncset.s32 $0xFFFFF086  }
0x25: {  	[simem:s6], [sflag:s4] =	dma.local [hbm:s3], $0xF7A  }
0x26: {  	[smem:$0x3F9C] =	sst s1;
	(tag) =	ssettag s2;
	_ =	strace s9  }
0x27: {  	s1 =	sld [smem:$0x3FAC]  }
0x28: {  	s2 =	sld [smem:$0x3FAD]  }
0x29: {  	s4 =	sld [smem:$0x3FAF]  }
0x2a: {  	p0 =	seq.s32 s5, $0x0;
	s5 =	sld [smem:$0x3FB0]  }
0x2b: {  	s6 =	sld [smem:$0x3FB1]  }
0x2c: {  	s7 =	sld [smem:$0x3FB2]  }
0x2d: {  	s3 =	simm.s32 $0x108;
	s8 =	sld [smem:$0x3FB3]  }
0x2e: {  	s3 =	simm.s32 @!p0 $0x1082;
	s9 =	sld [smem:$0x3FB4]  }
0x2f: {  	lr =	sadd.s32 s0, s3;
	s0 =	sld [smem:$0x3FAB]  }
0x30: {  	s3 =	sld [smem:$0x3FAE]  }
0x31: {  	[smem:$0x3FB7] =	sst s10  }
0x32: {  	s10 =	sld [smem:$0x3FB5];
	_ =	sdelay $0x3  }
0x33: {  	p0 =	seq.s32 s10, $0x1;
	s10 =	sld [smem:$0x3FB7];
	_ =	sdelay $0x3  }
0x34: {  	[smem:$0x3FB7] =	sst s10  }
0x35: {  	s10 =	sld [smem:$0x3FB6];
	_ =	sdelay $0x3  }
0x36: {  	p1 =	seq.s32 s10, $0x1;
	s10 =	sld [smem:$0x3FB7];
	_ =	sdelay $0x3  }
0x37: {  	[smem:$0x3FB7] =	sst s10  }
0x38: {  	s10 =	sld [smem:$0x3FB8]  }
0x39: {  	_ = 	snop;
	(pc) =	sbr.ind lr, $3  }
0x3a: {  	_ = 	snop  }
0x3b: {  	_ = 	snop  }
0x3c: {  	p2 =	seq.s32 s10, $0x1;
	s10 =	sld [smem:$0x3FB7]  }
0x3d: {  	_ =	shalt  }
0x3e: {  	_ =	shalt  }
0x3f: {  	_ =	shalt  }
0x40: {  	_ =	shalt  }
0x41: {  	_ =	shalt  }
0x42: {  	_ =	shalt  }
0x43: {  	_ =	shalt  }
0x44: {  	_ =	shalt  }
0x45: {  	_ =	shalt  }
0x46: {  	_ =	shalt  }
0x47: {  	_ =	shalt  }
0x48: {  	_ =	shalt  }
0x49: {  	_ =	shalt  }
0x4a: {  	_ =	shalt  }
0x4b: {  	_ =	shalt  }
0x4c: {  	_ =	shalt  }
0x4d: {  	_ =	shalt  }
0x4e: {  	_ =	shalt  }
0x4f: {  	_ =	shalt  }
0x50: {  	_ =	shalt  }
0x51: {  	_ =	shalt  }
0x52: {  	_ =	shalt  }
0x53: {  	_ =	shalt  }
0x54: {  	_ =	shalt  }
0x55: {  	_ =	shalt  }
0x56: {  	_ =	shalt  }
0x57: {  	_ =	shalt  }
0x58: {  	_ =	shalt  }
0x59: {  	_ =	shalt  }
0x5a: {  	_ =	shalt  }
0x5b: {  	_ =	shalt  }
0x5c: {  	_ =	shalt  }
0x5d: {  	_ =	shalt  }
0x5e: {  	_ =	shalt  }
0x5f: {  	_ =	shalt  }
0x60: {  	_ =	shalt  }
0x61: {  	_ =	shalt  }
0x62: {  	_ =	shalt  }
0x63: {  	_ =	shalt  }
0x64: {  	_ =	shalt  }
0x65: {  	_ =	shalt  }
0x66: {  	_ =	shalt  }
0x67: {  	_ =	shalt  }
0x68: {  	_ =	shalt  }
0x69: {  	_ =	shalt  }
0x6a: {  	_ =	shalt  }
0x6b: {  	_ =	shalt  }
0x6c: {  	_ =	shalt  }
0x6d: {  	_ =	shalt  }
0x6e: {  	_ =	shalt  }
0x6f: {  	_ =	shalt  }
0x70: {  	_ =	shalt  }
0x71: {  	_ =	shalt  }
0x72: {  	_ =	shalt  }
0x73: {  	_ =	shalt  }
0x74: {  	_ =	shalt  }
0x75: {  	_ =	shalt  }
0x76: {  	_ =	shalt  }
0x77: {  	_ =	shalt  }
0x78: {  	_ =	shalt  }
0x79: {  	_ =	shalt  }
0x7a: {  	_ =	shalt  }
0x7b: {  	_ =	shalt  }
0x7c: {  	_ =	shalt  }
0x7d: {  	_ =	shalt  }
0x7e: {  	_ =	shalt  }
0x7f: {  	_ =	shalt  }
0x80: {  	_ =	shalt  }
0x81: {  	_ =	shalt  }
0x82: {  	_ =	shalt  }
0x83: {  	_ =	shalt  }
0x84: {  	_ =	shalt  }
0x85: {  	_ =	shalt  }
0x86: {  	_ =	shalt  }
0x87: {  	_ =	shalt  }
.Lfunc_end0:
.L_simem_size_0:
called_computation.1_lowered:
.L_overlay_start_0:
0x88: {  	s2 =	sld [smem:$0x3FD9]  }
0x89: {  	s3 =	sld [smem:$0x3FFE];
	_ =	sdelay $0x1  }
0x8a: {  	s1 =	srdreg.scid  }
0x8b: {  	s0 =	sand.u32 $0x1, s1  }
0x8c: {  	s17 =	sshll.u32 s0, $0xA;
	s2 =	sadd.s32 s3, s2  }
0x8d: {  	s2 =	sadd.s32 s2, s17  }
0x8e: {  	[smem:$0x3FC3] =	sst s2  }
0x8f: {  	_ = 	snop  }
0x90: {  	(tm) =	ssettm $0x1  }
0x91: {  	s18 =	sld [smem:$0x3FFB];
	_ =	sdelay $0x3  }
0x92: {  	_ =	strace s18  }
0x93: {  	s2 =	sld [smem:$0x3FFC];
	_ =	sdelay $0x3  }
0x94: {  	_ =	strace s2  }
0x95: {  	s2 =	sld [smem:$0x3FFD];
	_ =	sdelay $0x3  }
0x96: {  	_ =	strace s2  }
0x97: {  	_ =	strace $0x8FFFFFFF  }
0x98: {  	s19 =	sld [smem:$0x3FDB];
	_ =	sdelay $0x1  }
0x99: {  	s20 =	simm.s32 $_scs_section_size  }
0x9a: {  	s4 =	simm.s32 $_size__tile_overlayer_lowered;
	s5 =	simm.s32 $_tile_overlayer_lowered  }
0x9b: {  	s6 =	simm.s32 $0x1BFF;
	s21 =	sshll.u32 s5, $0x1;
	s3 =	sadd.s32 s20, s19  }
0x9c: {  	s22 =	simm.s32 $0x0;
	s4 =	sshll.u32 s4, $0x1;
	s5 =	sadd.s32 s21, s3  }
0x9d: {  	[timem:s22], [sflag:s6] =	dma.local [hbm:s5], s4  }
0x9e: {  	_ =	swait.ge [sflag:s6], s4  }
0x9f: {  	s4 =	ssub.s32 $0x0, s4;
	[sflag:s6] =	ssyncset.done $0x0  }
0xa0: {  	[sflag:s6] =	ssyncadd.s32 s4;
	_ =	sdelay $0x1  }
0xa1: {  	s23 =	simm.s32 $0x1B8B  }
0xa2: {  	_ =	swait.ge [sflag:s23], $0x1  }
0xa3: {  	[sflag:s23] =	ssyncset.done $0x0  }
0xa4: {  	[sflag:s23] =	ssyncadd.s32 $0xFFFFFFFF  }
0xa5: {  	s4 =	sld [smem:$0x0]  }
0xa6: {  	s5 =	sand.u32 $0xFFFFFFFE, s1  }
0xa7: {  	p0 =	sne.s32 s1, s5  }
0xa8: {  	s5 =	sshll.u32 @p0 s5, $0xE  }
0xa9: {  	s5 =	sadd.s32 @p0 $0x11B8D, s5;
	s6 =	sshll.u32 @p0 s4, $0x11  }
0xaa: {  	s5 =	sor.u32 @p0 s6, s5  }
0xab: {  	[sflag:s5] =	ssyncadd.remote.s32 @p0 $0x1;
	_ =	sdelay $0x1  }
0xac: {  	s5 =	simm.s32 @p0 $0x1B8D  }
0xad: {  	_ =	swait.eq @p0 [sflag:s5], $0x1  }
0xae: {  	[sflag:s5] =	ssyncadd.s32 @p0 $0xFFFFFFFF  }
0xaf: {  	s6 =	sshll.u32 @!p0 s1, $0xE  }
0xb0: {  	s6 =	sor.u32 @!p0 $0x4000, s6;
	s5 =	simm.s32 @!p0 $0x1B8D  }
0xb1: {  	s4 =	sshll.u32 @!p0 s4, $0x11;
	s6 =	sadd.s32 @!p0 $0x11B8D, s6;
	_ =	swait.eq @!p0 [sflag:s5], $0x1  }
0xb2: {  	s4 =	sor.u32 @!p0 s4, s6;
	[sflag:s5] =	ssyncadd.s32 @!p0 $0xFFFFFFFF  }
0xb3: {  	s25 =	simm.s32 $0x1B8E;
	s24 =	sld [smem:$0x3FFE];
	[sflag:s4] =	ssyncadd.remote.s32 @!p0 $0x1  }
0xb4: {  	s26 =	simm.s32 $execute0_lowered;
	[smem:$0x3FD2] =	sst s25  }
0xb5: {  	s5 =	sshll.u32 s26, $0x1;
	_ =	strace $0x80000049;
	[dreg:$0x1] =	wrdreg $0xFFFFFFFF  }
0xb6: {  	s28 =	simm.s32 $_size_execute0_lowered;
	s3 =	sadd.s32 s3, s5;
	[dreg:$0x0] =	wrdreg $0x0  }
0xb7: {  	s5 =	sshll.u32 s28, $0x1;
	[dreg:$0x2] =	wrdreg s3  }
0xb8: {  	[dreg:$0x3] =	wrdreg s5  }
0xb9: {  	[dreg:$0x4] =	wrdreg $0xC0  }
0xba: {  	_ =	task [dreg:s22], $0x5FFFF  }
0xbb: {  	[dreg:$0x1] =	wrdreg $0xFFFFFFFF  }
0xbc: {  	[dreg:$0x0] =	wrdreg $0x60  }
0xbd: {  	[dreg:$0x2] =	wrdreg s24  }
0xbe: {  	[dreg:$0x3] =	wrdreg $0x40800  }
0xbf: {  	[dreg:$0x4] =	wrdreg $0xA  }
0xc0: {  	_ =	task.clear_ibuf [dreg:s22], $0x5FFFF;
	_ =	strace $0x90000049  }
0xc1: {  	s29 =	simm.s32 $0xA;
	_ =	strace $0x8000004B  }
0xc2: {  	_ =	swait.ge [sflag:s29], $0x1  }
0xc3: {  	[sflag:s29] =	ssyncadd.s32 $0xFFFFFFFF  }
0xc4: {  	_ =	strace $0x9000004B  }
0xc5: {  	_ =	sfence  }
0xc6: {  	s30 =	sld [smem:$0x0];
	_ =	sdelay $0x2  }
0xc7: {  	s31 =	sshll.u32 s1, $0xD;
	s1 =	sshrl.u32 s1, $0x2  }
0xc8: {  	s4 =	sand.u32 $0x4000, s31;
	s1 =	sadd.s32 s1, s30  }
0xc9: {  	s0 =	sor.u32 s4, s0;
	s1 =	sshll.u32 s1, $0x11  }
0xca: {  	s0 =	sor.u32 s1, s0  }
0xcb: {  	s0 =	sadd.s32 $0x8F2B, s0  }
0xcc: {  	[sflag:s0] =	ssyncadd.remote.s32 $0x1  }
0xcd: {  	_ =	sfence.sel $0xFFFF  }
0xce: {  	[dreg:$0x0] =	wrdreg $0xFFFFFFFF;
	(pc) =	sbr.abs _section_cstart, $3  }
0xcf: {  	[dreg:$0x1] =	wrdreg $0xFFFFFFFF  }
0xd0: {  	_ =	task.clear_ibuf [dreg:s22], $0x2FFFF;
	_ =	strace $0x9FFFFFFF  }
0xd1: {  	(tm) =	ssettm $0x7FFFFFFF  }
tec
execute0_lowered:
.L_overlay_start_1:
0x0: {  	(tag) =	ssettag $0x1  }
0x1: {  	s4 =	rddreg [dreg:$0x0]  }
0x2: {  	s0 =	srdreg.scid;
	s2 =	rddreg [dreg:$0x1]  }
0x3: {  	s1 =	rddreg [dreg:$0x2];
	s5 =	sand.u32 $0x1, s0  }
0x4: {  	s0 =	stileid.u32;
	s6 =	smul.u32 $0x13C000, s5  }
0x5: {  	s3 =	simm.s32 $0x0;
	s13 =	simm.s32 $0x1;
	s7 =	smul.u32 $0x13C00, s0  }
0x6: {  	s16 =	simm.s32 $0x0;
	[smem:$0x7FF] =	sst s3;
	s8 =	smul.u32 $0x4F00, s5  }
0x7: {  	s29 =	smul.u32 $0x4F000, s0;
	_ =	strace $0x8000004A;
	s5 =	ssub.s32 $0x2, s5  }
0x8: {  	s11 =	smul.u32 $0x4F0, s0;
	s14 =	sshll.u32 s0, $0x6;
	s31 =	sshrl.u32 s5, $0x1  }
0x9: {  	s14 =	sor.u32 $0x1C01, s14;
	s6 =	sadd.s32 s7, s6;
	s9 =	sadd.s32 s8, s4  }
0xa: {  	s30 =	sshrl.u32 s29, $0x2;
	s12 =	ssub.s32 s5, s31;
	s6 =	sshrl.u32 s6, $0x3  }
0xb: {  	s11 =	sadd.s32 s11, s9;
	s10 =	sadd.s32 s6, s4;
	s4 =	sadd.s32 s30, s2  }
0xc: {  	s11 =	sadd.s32 $0x1000, s11;
	s5 =	sadd.s32 $0x4000, s4;
	s6 =	sadd.s32 $0x8000, s4  }
0xd: {  	s7 =	sadd.s32 $0xC000, s4;
	s8 =	sadd.s32 $0x10000, s4;
	s9 =	sadd.s32 $0x59E00, s10  }
0xe: {  	v0 =	vimm.f32 $0.0e+00;
	v1 =	vimm.f32 $1.000000000e+00;
	s10 =	smax.u32 s12, $0x1;
	s12 =	simm.s32 $0x80;
	s15 =	sshrl.u32 s4, $0x3  }
.LBB2_1:
0xf: {  	s17 =	simm.s32 $0x0;
	s18 =	simm.s32 $0x200  }
.LBB2_2:
0x10: {  	p0 =	sne.s32 s18, $0xFE00;
	[tilespmem:s17+$0xF0] =	vst v0  }
0x11: {  	[tilespmem:s17+$0x80] =	vst v0  }
0x12: {  	[tilespmem:s17+$0x90] =	vst v0  }
.Ltmp0:
0x13: {  	[tilespmem:s17+$0xA0] =	vst v0;
	(pc) =	sbr.rel @p0 .LBB2_2-.Ltmp0, $4  }
0x14: {  	[tilespmem:s17+$0xB0] =	vst v0  }
0x15: {  	[tilespmem:s17+$0xC0] =	vst v0  }
0x16: {  	[tilespmem:s17+$0xD0] =	vst v0  }
0x17: {  	[tilespmem:s17+$0xE0] =	vst v0;
	s17 =	sshra.s32 s18, $0x2;
	s18 =	sadd.s32 $0x200, s18  }
0x18: {  	[tilespmem:s17+$0xF0] =	vst v0  }
0x19: {  	[tilespmem:s17+$0x80] =	vst v0  }
0x1a: {  	[tilespmem:s17+$0x90] =	vst v0  }
0x1b: {  	[tilespmem:s17+$0xA0] =	vst v0  }
0x1c: {  	[tilespmem:s17+$0xB0] =	vst v0  }
0x1d: {  	[tilespmem:s17+$0xC0] =	vst v0  }
0x1e: {  	[tilespmem:s17+$0xD0] =	vst v0  }
0x1f: {  	[tilespmem:s17+$0xE0] =	vst v0  }
0x20: {  	[spmem:s4] =	stream.linear.scatter [tilespmem:s12], [sflag:$0x1], $0x4000, $0x38;
	[tilespmem:$0x17C80] =	vst v63  }
0x21: {  	_ =	swait.ge [sflag:s13], $0x4000  }
0x22: {  	[sflag:s13] =	ssyncset.done $0x0  }
0x23: {  	[sflag:s13] =	ssyncadd.s32 $0xFFFFC000  }
0x24: {  	[spmem:s5] =	stream.linear.scatter [tilespmem:s12], [sflag:$0x1], $0x4000, $0x38;
	[tilespmem:$0x17C80] =	vst v63  }
0x25: {  	_ =	swait.ge [sflag:s13], $0x4000  }
0x26: {  	[sflag:s13] =	ssyncset.done $0x0  }
0x27: {  	[sflag:s13] =	ssyncadd.s32 $0xFFFFC000  }
0x28: {  	[spmem:s6] =	stream.linear.scatter [tilespmem:s12], [sflag:$0x1], $0x4000, $0x38;
	[tilespmem:$0x17C80] =	vst v63  }
0x29: {  	_ =	swait.ge [sflag:s13], $0x4000  }
0x2a: {  	[sflag:s13] =	ssyncset.done $0x0  }
0x2b: {  	[sflag:s13] =	ssyncadd.s32 $0xFFFFC000  }
0x2c: {  	[spmem:s7] =	stream.linear.scatter [tilespmem:s12], [sflag:$0x1], $0x4000, $0x38;
	[tilespmem:$0x17C80] =	vst v63  }
0x2d: {  	_ =	swait.ge [sflag:s13], $0x4000  }
0x2e: {  	[sflag:s13] =	ssyncset.done $0x0  }
0x2f: {  	[sflag:s13] =	ssyncadd.s32 $0xFFFFC000  }
0x30: {  	[spmem:s8] =	stream.linear.scatter [tilespmem:s12], [sflag:$0x1], $0x3C00, $0x38;
	[tilespmem:$0x17C80] =	vst v63  }
0x31: {  	_ =	swait.ge [sflag:s13], $0x3C00  }
0x32: {  	[sflag:s13] =	ssyncset.done $0x0  }
0x33: {  	s17 =	simm.s32 $0x200;
	s18 =	simm.s32 $0x0;
	[sflag:s13] =	ssyncadd.s32 $0xFFFFC400  }
.LBB2_4:
0x34: {  	p0 =	sne.s32 s17, $0xFE00;
	[tilespmem:s18+$0x80] =	vst v1;
	s18 =	smov.u32 s17;
	s17 =	sadd.s32 $0x200, s17  }
.Ltmp1:
0x35: {  	(pc) =	sbr.rel @p0 .LBB2_4-.Ltmp1, $2  }
0x36: {  	_ =	sdelay $0x2  }
0x37: {  	s18 =	sshra.s32 s18, $0x2  }
0x38: {  	[tilespmem:s18+$0x80] =	vst v1  }
0x39: {  	s17 =	sadd.s32 $0x0, s11;
	[bflag:$0x0] =	sbarrier.arrive $0xFFFF  }
0x3a: {  	[tilespmem:s3], [sflag:$0x1] =	stream.linear.gather [hbm4b:s17+s3], $0x80, $0x38;
	[tilespmem:$0x17C80] =	vst v63  }
0x3b: {  	_ =	swait.ge [sflag:s13], $0x80  }
0x3c: {  	[sflag:s13] =	ssyncset.done $0x0  }
0x3d: {  	[sflag:s13] =	ssyncadd.s32 $0xFFFFFF80  }
0x3e: {  	[spmem:s2] =	stream.indirect.scatter.add.f32 [tilespmem:s12], [sflag:$0x1], $0x80, s3, s12, $0xb8;
	[tilespmem:$0x17C80] =	vst v63  }
0x3f: {  	_ =	swait.ge [sflag:s13], $0x4000  }
0x40: {  	s18 =	simm.s32 $0x20;
	s17 =	simm.s32 $0x10;
	[sflag:s13] =	ssyncset.done $0x0  }
.LBB2_6:
0x41: {  	s19 =	sadd.s32 s17, s11  }
0x42: {  	[sflag:s13] =	ssyncadd.s32 $0xFFFFC000;
	s17 =	smov.u32 s18;
	s20 =	sadd.s32 $0x10, s18  }
0x43: {  	[tilespmem:s3], [sflag:$0x1] =	stream.linear.gather [hbm4b:s19+s3], $0x80, $0x38;
	[tilespmem:$0x17C80] =	vst v63  }
0x44: {  	p0 =	sne.s32 s18, $0x4E0;
	_ =	swait.ge [sflag:s13], $0x80  }
.Ltmp2:
0x45: {  	[sflag:s13] =	ssyncset.done $0x0;
	(pc) =	sbr.rel @p0 .LBB2_6-.Ltmp2, $4  }
0x46: {  	[sflag:s13] =	ssyncadd.s32 $0xFFFFFF80  }
0x47: {  	[spmem:s2] =	stream.indirect.scatter.add.f32 [tilespmem:s12], [sflag:$0x1], $0x80, s3, s12, $0xb8;
	[tilespmem:$0x17C80] =	vst v63  }
0x48: {  	_ =	swait.ge [sflag:s13], $0x4000  }
0x49: {  	s18 =	smov.u32 s20;
	[sflag:s13] =	ssyncset.done $0x0  }
0x4a: {  	s17 =	sadd.s32 s17, s11;
	[sflag:s13] =	ssyncadd.s32 $0xFFFFC000  }
0x4b: {  	[tilespmem:s3], [sflag:$0x1] =	stream.linear.gather [hbm4b:s17+s3], $0x80, $0x38;
	[tilespmem:$0x17C80] =	vst v63  }
0x4c: {  	_ =	swait.ge [sflag:s13], $0x80  }
0x4d: {  	[sflag:s13] =	ssyncset.done $0x0  }
0x4e: {  	[sflag:s13] =	ssyncadd.s32 $0xFFFFFF80  }
0x4f: {  	[spmem:s2] =	stream.indirect.scatter.add.f32 [tilespmem:s12], [sflag:$0x1], $0x80, s3, s12, $0xb8;
	[tilespmem:$0x17C80] =	vst v63  }
0x50: {  	_ =	swait.ge [sflag:s13], $0x4000  }
0x51: {  	s16 =	sadd.s32 $0x1, s16;
	[sflag:s13] =	ssyncset.done $0x0  }
0x52: {  	p0 =	sne.s32 s16, s10;
	[sflag:s13] =	ssyncadd.s32 $0xFFFFC000  }
.Ltmp3:
0x53: {  	[bflag:$0x0] =	sbarrier.arrive $0xFFFF;
	(pc) =	sbr.rel @p0 .LBB2_1-.Ltmp3, $4  }
0x54: {  	[hbm:s9], [sflag:s14] =	dma.local [spmem:s15], $0x2780  }
0x55: {  	_ =	swait.ge [sflag:s13], $0x2780  }
0x56: {  	[sflag:s13] =	ssyncset.done $0x0  }
0x57: {  	[sflag:s13] =	ssyncadd.s32 $0xFFFFD880  }
0x58: {  	_ =	sfence.sel $0x180000  }
0x59: {  	[bflag:$0x0] =	sbarrier.arrive $0xFFFF  }
0x5a: {  	p0 =	sne.s32 s0, $0x0;
	_ =	strace $0x9000004A  }
0x5b: {  	s0 =	sadd.s32 @!p0 $0x100000, s1;
	[bflag:$0x2] =	sbarrier.arrive $0xFFFF  }
0x5c: {  	[sflag:s0] =	ssyncadd.tile.s32 @!p0 $0x1;
	_ =	shalt  }
.Lfunc_end2:
_tile_overlayer_lowered:
.L_overlay_start_2:
0x5d: {  	(tag) =	ssettag $0x2  }
0x5e: {  	s0 =	rddreg [dreg:$0x0];
	s2 =	stileid.u32  }
0x5f: {  	s1 =	rddreg [dreg:$0x1];
	p0 =	sne.s32 s2, $0x0  }
0x60: {  	s3 =	rddreg [dreg:$0x2];
	[bflag:$0x3] =	sbarrier.arrive $0xFFFF;
	s2 =	simm.s32 @!p0 $0x1C01  }
0x61: {  	[timem:s3], [sflag:s2] =	dma.local @!p0 [hbm:s0], s1  }
0x62: {  	s0 =	simm.s32 @!p0 $0x1  }
0x63: {  	_ =	swait.ge @!p0 [sflag:s0], s1  }
0x64: {  	s1 =	ssub.s32 @!p0 $0x0, s1;
	[sflag:s0] =	ssyncset.done @!p0 $0x0  }
0x65: {  	[sflag:s0] =	ssyncadd.s32 @!p0 s1  }
0x66: {  	[bflag:$0x3] =	sbarrier.arrive $0xFFFF  }
0x67: {  	_ =	shalt  }

</sc_bundles>
